<compile_context>
chip_gen: v7x
topology: tpu7x:2x2x1
jax: 0.10.2.dev20260603
libtpu: 0.0.44.dev20260713+nightly
codegen_flags: <defaults>
</compile_context>

<pallas_src>
import functools

import jax
import jax.numpy as jnp
from jax import lax
from jax.experimental import pallas as pl
from jax.experimental.pallas import tpu as pltpu
from jax.experimental.pallas import tpu_sc as plsc

_B, _N, _S, _D1, _D2 = 16, 4096, 1024, 256, 512
_CIN = _D1 + _D2
_M0, _M1 = 512, 512
_BLK = 512
_NB = _N // _BLK
_BLK2 = 1024
_NB2 = _N // _BLK2

_NW = 32
_PW = (_B * _N) // _NW
_C = 16
_NCHUNK = _PW // _C


def _stage0_body(x2t_ref, x1_ref, idx_ref, w_ref):
    b = pl.program_id(0)
    x2t = x2t_ref[0]
    x1b = x1_ref[0]
    n2 = 0.25 * jnp.sum(x2t * x2t, axis=1, keepdims=True)
    n1 = jnp.sum(x1b * x1b, axis=0, keepdims=True)
    d = jnp.dot(x2t, x1b, preferred_element_type=jnp.float32) + (n2 + n1)

    iota0 = lax.broadcasted_iota(jnp.int32, (_S, _BLK), 0)
    idxs, recs = [], []
    rec_sum = jnp.zeros((1, _BLK), jnp.float32)
    for k in range(3):
        mval = jnp.min(d, axis=0, keepdims=True)
        midx = jnp.min(jnp.where(d == mval, iota0, _S), axis=0, keepdims=True)
        if k < 2:
            d = jnp.where(iota0 == midx, jnp.float32(jnp.inf), d)
        r = 1.0 / (mval + 1e-8)
        idxs.append(midx)
        recs.append(r)
        rec_sum = rec_sum + r
    inv = 1.0 / rec_sum
    idx_ref[0] = jnp.concatenate(idxs, axis=0) + b * _S
    w_ref[0] = jnp.concatenate([r * inv for r in recs], axis=0)


def _sc_gather_body(p2r_hbm, idxp_hbm, wp_hbm, out_hbm,
                    idx_v, w_v, rows_v, acc_v, sem):
    wid = lax.axis_index("s") * 2 + lax.axis_index("c")
    base = wid * _PW

    def chunk(i, carry):
        pb = base + i * _C
        for k in range(3):
            pltpu.sync_copy(idxp_hbm.at[k, pl.ds(pb, _C)],
                            idx_v.at[pl.ds(k * _C, _C)])
            pltpu.sync_copy(wp_hbm.at[k, pl.ds(pb, _C)],
                            w_v.at[pl.ds(k * _C, _C)])
        pltpu.async_copy(p2r_hbm.at[idx_v], rows_v, sem).wait()
        w0all = w_v[pl.ds(0, 16)]
        w1all = w_v[pl.ds(_C, 16)]
        w2all = w_v[pl.ds(2 * _C, 16)]

        def point(p, carry2):
            bidx = jnp.zeros((16,), jnp.int32) + p
            w0 = w0all.at[bidx].get(mode="promise_in_bounds")
            w1 = w1all.at[bidx].get(mode="promise_in_bounds")
            w2 = w2all.at[bidx].get(mode="promise_in_bounds")
            for c in range(_D2 // 16):
                sl = pl.ds(c * 16, 16)
                acc_v[p, sl] = (w0 * rows_v[p, sl]
                                + w1 * rows_v[_C + p, sl]
                                + w2 * rows_v[2 * _C + p, sl])
            return carry2

        lax.fori_loop(0, _C, point, 0)
        pltpu.sync_copy(acc_v, out_hbm.at[pl.ds(pb, _C)])
        return carry

    lax.fori_loop(0, _NCHUNK, chunk, 0)


def _stage1_body(it_ref, p1_ref, w1a_ref, w1b_ref, h_ref, sum_ref, sq_ref):
    interp = it_ref[...]
    h = lax.dot_general(w1a_ref[...], interp.astype(jnp.bfloat16),
                        (((1,), (1,)), ((), ())),
                        preferred_element_type=jnp.float32)
    h = h + jnp.dot(w1b_ref[...], p1_ref[0].astype(jnp.bfloat16),
                    preferred_element_type=jnp.float32)
    h_ref[0] = h.astype(jnp.bfloat16)

    @pl.when((pl.program_id(0) == 0) & (pl.program_id(1) == 0))
    def _init():
        sum_ref[...] = jnp.zeros_like(sum_ref)
        sq_ref[...] = jnp.zeros_like(sq_ref)

    sum_ref[...] += jnp.sum(h, axis=1, keepdims=True)
    sq_ref[...] += jnp.sum(h * h, axis=1, keepdims=True)


def _stage2_body(h_ref, sum_ref, sq_ref, g1_ref, be_ref, w2_ref, b2_ref,
                 out_ref):
    inv_cnt = 1.0 / (_B * _N)
    mean = sum_ref[...] * inv_cnt
    var = sq_ref[...] * inv_cnt - mean * mean
    scale = g1_ref[...] * lax.rsqrt(var + 1e-5)
    shift = be_ref[...] - mean * scale
    g = jnp.maximum(h_ref[0].astype(jnp.float32) * scale + shift, 0.0)
    o = jnp.dot(w2_ref[...], g.astype(jnp.bfloat16),
                preferred_element_type=jnp.float32) + b2_ref[...]
    out_ref[0] = jnp.maximum(o, 0.0)


def kernel(xyz1, xyz2, points1, points2, W1, b1, gamma1, beta1, W2, b2):
    del b1
    x2t = jnp.transpose(xyz2, (0, 2, 1)) * (-2.0)
    w1a = W1[:, :_D2].astype(jnp.bfloat16)
    w1b = W1[:, _D2:].astype(jnp.bfloat16)

    idx3, w3 = pl.pallas_call(
        _stage0_body,
        grid=(_B, _NB),
        in_specs=[
            pl.BlockSpec((1, _S, 3), lambda b, n: (b, 0, 0)),
            pl.BlockSpec((1, 3, _BLK), lambda b, n: (b, 0, n)),
        ],
        out_specs=[
            pl.BlockSpec((1, 3, _BLK), lambda b, n: (b, 0, n)),
            pl.BlockSpec((1, 3, _BLK), lambda b, n: (b, 0, n)),
        ],
        out_shape=[
            jax.ShapeDtypeStruct((_B, 3, _N), jnp.int32),
            jax.ShapeDtypeStruct((_B, 3, _N), jnp.float32),
        ],
    )(x2t, xyz1)

    idxp = jnp.transpose(idx3, (1, 0, 2)).reshape(3, _B * _N)
    wp = jnp.transpose(w3, (1, 0, 2)).reshape(3, _B * _N)
    p2r = jnp.transpose(points2, (0, 2, 1)).reshape(_B * _S, _D2)

    sc_gather = functools.partial(
        pl.kernel,
        mesh=plsc.VectorSubcoreMesh(core_axis_name="c", subcore_axis_name="s"),
        out_type=jax.ShapeDtypeStruct((_B * _N, _D2), jnp.float32),
        scratch_types=[
            pltpu.VMEM((3 * _C,), jnp.int32),
            pltpu.VMEM((3 * _C,), jnp.float32),
            pltpu.VMEM((3 * _C, _D2), jnp.float32),
            pltpu.VMEM((_C, _D2), jnp.float32),
            pltpu.SemaphoreType.DMA,
        ],
    )(_sc_gather_body)
    interp = sc_gather(p2r, idxp, wp)

    h, hsum, hsq = pl.pallas_call(
        _stage1_body,
        grid=(_B, _NB),
        in_specs=[
            pl.BlockSpec((_BLK, _D2), lambda b, n: (b * _NB + n, 0)),
            pl.BlockSpec((1, _D1, _BLK), lambda b, n: (b, 0, n)),
            pl.BlockSpec((_M0, _D2), lambda b, n: (0, 0)),
            pl.BlockSpec((_M0, _D1), lambda b, n: (0, 0)),
        ],
        out_specs=[
            pl.BlockSpec((1, _M0, _BLK), lambda b, n: (b, 0, n)),
            pl.BlockSpec((_M0, 1), lambda b, n: (0, 0)),
            pl.BlockSpec((_M0, 1), lambda b, n: (0, 0)),
        ],
        out_shape=[
            jax.ShapeDtypeStruct((_B, _M0, _N), jnp.bfloat16),
            jax.ShapeDtypeStruct((_M0, 1), jnp.float32),
            jax.ShapeDtypeStruct((_M0, 1), jnp.float32),
        ],
    )(interp, points1, w1a, w1b)

    out = pl.pallas_call(
        _stage2_body,
        grid=(_B, _NB2),
        in_specs=[
            pl.BlockSpec((1, _M0, _BLK2), lambda b, n: (b, 0, n)),
            pl.BlockSpec((_M0, 1), lambda b, n: (0, 0)),
            pl.BlockSpec((_M0, 1), lambda b, n: (0, 0)),
            pl.BlockSpec((_M0, 1), lambda b, n: (0, 0)),
            pl.BlockSpec((_M0, 1), lambda b, n: (0, 0)),
            pl.BlockSpec((_M1, _M0), lambda b, n: (0, 0)),
            pl.BlockSpec((_M1, 1), lambda b, n: (0, 0)),
        ],
        out_specs=pl.BlockSpec((1, _M1, _BLK2), lambda b, n: (b, 0, n)),
        out_shape=jax.ShapeDtypeStruct((_B, _M1, _N), jnp.float32),
    )(h, hsum, hsq, gamma1[:, None], beta1[:, None],
      W2.astype(jnp.bfloat16), b2[:, None])
    return out

# --- scband reference (transcript-rebuilt; emitter-appended) ---
"""Pipeline reference for scband-point-net-feature-propagation-46712064311940 (READ-ONLY COPY).

The authoritative reference and input builder live on the scoring server;
editing this copy changes nothing except your own understanding.
"""

import jax, jax.numpy as jnp
import numpy as np

B, N, S, D1, D2 = 16, 4096, 1024, 256, 512
CIN = D1 + D2
MLP0, MLP1 = 512, 512


def _bn(x, gamma, beta, eps=1e-5):
    # training-mode BatchNorm1d over (B, N) per channel, x: (B, C, N)
    mean = jnp.mean(x, axis=(0, 2), keepdims=True)
    var = jnp.var(x, axis=(0, 2), keepdims=True)
    xhat = (x - mean) / jnp.sqrt(var + eps)
    return xhat * gamma[None, :, None] + beta[None, :, None]


def setup_inputs(seed: int = 0):
    key = jax.random.key(seed)
    ks = jax.random.split(key, 8)
    xyz1 = jax.random.normal(ks[0], (B, 3, N), dtype=jnp.float32)
    xyz2 = jax.random.normal(ks[1], (B, 3, S), dtype=jnp.float32)
    points1 = jax.random.normal(ks[2], (B, D1, N), dtype=jnp.float32)
    points2 = jax.random.normal(ks[3], (B, D2, S), dtype=jnp.float32)
    W1 = jax.random.normal(ks[4], (MLP0, CIN), dtype=jnp.float32) * 0.02
    b1 = jnp.zeros((MLP0,), dtype=jnp.float32)
    gamma1 = jnp.ones((MLP0,), dtype=jnp.float32)
    beta1 = jnp.zeros((MLP0,), dtype=jnp.float32)
    W2 = jax.random.normal(ks[5], (MLP1, MLP0), dtype=jnp.float32) * 0.02
    b2 = jnp.zeros((MLP1,), dtype=jnp.float32)
    return {"xyz1": xyz1, "xyz2": xyz2, "points1": points1, "points2": points2,
            "W1": W1, "b1": b1, "gamma1": gamma1, "beta1": beta1, "W2": W2, "b2": b2}


def reference(xyz1, xyz2, points1, points2, W1, b1, gamma1, beta1, W2, b2):
    src = jnp.transpose(xyz1, (0, 2, 1))  # (B, N, 3)
    dst = jnp.transpose(xyz2, (0, 2, 1))  # (B, S, 3)
    dists = -2.0 * jnp.matmul(src, jnp.transpose(dst, (0, 2, 1)))
    dists = dists + jnp.sum(src ** 2, axis=-1)[:, :, None]
    dists = dists + jnp.sum(dst ** 2, axis=-1)[:, None, :]
    # 3 nearest neighbors (ascending distance) via top_k on negated dists
    neg_d, idx = jax.lax.top_k(-dists, 3)
    d3 = -neg_d  # (B, N, 3), sorted ascending
    dist_recip = 1.0 / (d3 + 1e-8)
    norm = jnp.sum(dist_recip, axis=2, keepdims=True)
    weight = dist_recip / norm  # (B, N, 3)
    p2 = jnp.transpose(points2, (0, 2, 1))  # (B, S, D2)
    gathered = jax.vmap(lambda p, i: p[i])(p2, idx)  # (B, N, 3, D2)
    interp = jnp.sum(gathered * weight[..., None], axis=2)  # (B, N, D2)
    interp = jnp.transpose(interp, (0, 2, 1))  # (B, D2, N)
    new_points = jnp.concatenate([interp, points1], axis=1)  # (B, CIN, N)
    h = jnp.einsum('bcn,oc->bon', new_points, W1) + b1[None, :, None]
    h = jax.nn.relu(_bn(h, gamma1, beta1))
    h = jnp.einsum('bcn,oc->bon', h, W2) + b2[None, :, None]
    h = jax.nn.relu(h)  # second bn is Identity in the torch module
    return h

if __name__ == "__main__":
    import jax
    _d = setup_inputs()
    print(jax.jit(kernel)(*tuple(_d.values())))

</pallas_src>

<mosaic_0001>
#map = affine_map<(d0, d1) -> (0, 0)>
module attributes {stable_mosaic.version = 14 : i64} {
  func.func @_sc_gather_body(%arg0: i32, %arg1: i32, %arg2: memref<16384x512xf32, #tpu.memory_space<hbm>>, %arg3: memref<3x65536xi32, #tpu.memory_space<hbm>>, %arg4: memref<3x65536xf32, #tpu.memory_space<hbm>>, %arg5: memref<65536x512xf32, #tpu.memory_space<hbm>>, %arg6: memref<48xi32, #tpu.memory_space<vmem>>, %arg7: memref<48xf32, #tpu.memory_space<vmem>>, %arg8: memref<48x512xf32, #tpu.memory_space<vmem>>, %arg9: memref<16x512xf32, #tpu.memory_space<vmem>>, %arg10: memref<!tpu.dma_semaphore, #tpu.memory_space<semaphore_mem>>) attributes {dimension_semantics = [#tpu.dimension_semantics<core_parallel>, #tpu.dimension_semantics<subcore_parallel>], iteration_bounds = array<i64: 2, 16>, scalar_prefetch = 0 : i64, scratch_operands = 5 : i64, tpu.core_type = #tpu.core_type<sc_vector_subcore>, window_params = [{transform_indices = #map}, {transform_indices = #map}, {transform_indices = #map}, {transform_indices = #map}]} {
    %mul3A = arith.constant 2 : i32
    %mul3A_0 = arith.muli %arg1, %mul3A : i32
    %add3A = arith.addi %mul3A_0, %arg0 : i32
    %mul3A_1 = arith.constant 2048 : i32
    %mul3A_2 = arith.muli %add3A, %mul3A_1 : i32
    %scan3A = arith.constant 0 : i32
    %scan3A_3 = arith.constant 0 : i32
    %scan3A_4 = arith.constant 128 : i32
    %scan3A_5 = arith.addi %scan3A_3, %scan3A_4 : i32
    %scan3A_6 = arith.constant 1 : i32
    scf.for %scan3A_8 = %scan3A_3 to %scan3A_5 step %scan3A_6  : i32 {
      %mul3A_9 = arith.constant 16 : i32
      %mul3A_10 = arith.muli %scan3A_8, %mul3A_9 : i32
      %add3A_11 = arith.addi %mul3A_2, %mul3A_10 : i32
      %run_scoped3A = arith.constant 0 : i32
      "tpu.region"() ({
        %run_scoped3A_35 = tpu.sem_alloc : memref<!tpu.dma_semaphore, #tpu.memory_space<semaphore_mem>>
        %dma_start3A_36 = arith.constant 0 : i32
        %dma_start3A_37 = tpu.memref_slice %arg6[%dma_start3A_36] : memref<48xi32, #tpu.memory_space<vmem>> -> memref<16xi32, #tpu.memory_space<vmem>>
        %dma_start3A_38 = tpu.memref_slice %arg3[%run_scoped3A, %add3A_11] : memref<3x65536xi32, #tpu.memory_space<hbm>> -> memref<1x16xi32, #tpu.memory_space<hbm>>
        %dma_start3A_39 = tpu.memref_squeeze %dma_start3A_38 : memref<1x16xi32, #tpu.memory_space<hbm>> -> memref<16xi32, #tpu.memory_space<hbm>>
        %dma_start3A_40 = arith.constant 0 : i32
        %dma_start3A_41 = tpu.memref_slice %arg6[%dma_start3A_40] : memref<48xi32, #tpu.memory_space<vmem>> -> memref<16xi32, #tpu.memory_space<vmem>>
        %dma_start3A_42 = tpu.memref_slice %arg3[%run_scoped3A, %add3A_11] : memref<3x65536xi32, #tpu.memory_space<hbm>> -> memref<1x16xi32, #tpu.memory_space<hbm>>
        %dma_start3A_43 = tpu.memref_squeeze %dma_start3A_42 : memref<1x16xi32, #tpu.memory_space<hbm>> -> memref<16xi32, #tpu.memory_space<hbm>>
        tpu.enqueue_dma source(%dma_start3A_43 : memref<16xi32, #tpu.memory_space<hbm>>) target(%dma_start3A_41 : memref<16xi32, #tpu.memory_space<vmem>>) target_semaphore(%run_scoped3A_35 : memref<!tpu.dma_semaphore, #tpu.memory_space<semaphore_mem>>)
        %dma_wait3A_44 = arith.constant 0 : i32
        %dma_wait3A_45 = tpu.memref_slice %arg6[%dma_wait3A_44] : memref<48xi32, #tpu.memory_space<vmem>> -> memref<16xi32, #tpu.memory_space<vmem>>
        %dma_wait3A_46 = tpu.memref_slice %arg3[%run_scoped3A, %add3A_11] : memref<3x65536xi32, #tpu.memory_space<hbm>> -> memref<1x16xi32, #tpu.memory_space<hbm>>
        %dma_wait3A_47 = tpu.memref_squeeze %dma_wait3A_46 : memref<1x16xi32, #tpu.memory_space<hbm>> -> memref<16xi32, #tpu.memory_space<hbm>>
        %dma_wait3A_48 = arith.constant 0 : i32
        %dma_wait3A_49 = tpu.memref_slice %arg6[%dma_wait3A_48] : memref<48xi32, #tpu.memory_space<vmem>> -> memref<16xi32, #tpu.memory_space<vmem>>
        %dma_wait3A_50 = tpu.memref_slice %arg3[%run_scoped3A, %add3A_11] : memref<3x65536xi32, #tpu.memory_space<hbm>> -> memref<1x16xi32, #tpu.memory_space<hbm>>
        %dma_wait3A_51 = tpu.memref_squeeze %dma_wait3A_50 : memref<1x16xi32, #tpu.memory_space<hbm>> -> memref<16xi32, #tpu.memory_space<hbm>>
        tpu.wait_dma2 semaphore(%run_scoped3A_35 : memref<!tpu.dma_semaphore, #tpu.memory_space<semaphore_mem>>) src(%dma_wait3A_51 : memref<16xi32, #tpu.memory_space<hbm>>) dst(%dma_wait3A_49 : memref<16xi32, #tpu.memory_space<vmem>>)
        tpu.yield
      }) : () -> ()
      %run_scoped3A_12 = arith.constant 0 : i32
      "tpu.region"() ({
        %run_scoped3A_35 = tpu.sem_alloc : memref<!tpu.dma_semaphore, #tpu.memory_space<semaphore_mem>>
        %dma_start3A_36 = arith.constant 0 : i32
        %dma_start3A_37 = tpu.memref_slice %arg7[%dma_start3A_36] : memref<48xf32, #tpu.memory_space<vmem>> -> memref<16xf32, #tpu.memory_space<vmem>>
        %dma_start3A_38 = tpu.memref_slice %arg4[%run_scoped3A_12, %add3A_11] : memref<3x65536xf32, #tpu.memory_space<hbm>> -> memref<1x16xf32, #tpu.memory_space<hbm>>
        %dma_start3A_39 = tpu.memref_squeeze %dma_start3A_38 : memref<1x16xf32, #tpu.memory_space<hbm>> -> memref<16xf32, #tpu.memory_space<hbm>>
        %dma_start3A_40 = arith.constant 0 : i32
        %dma_start3A_41 = tpu.memref_slice %arg7[%dma_start3A_40] : memref<48xf32, #tpu.memory_space<vmem>> -> memref<16xf32, #tpu.memory_space<vmem>>
        %dma_start3A_42 = tpu.memref_slice %arg4[%run_scoped3A_12, %add3A_11] : memref<3x65536xf32, #tpu.memory_space<hbm>> -> memref<1x16xf32, #tpu.memory_space<hbm>>
        %dma_start3A_43 = tpu.memref_squeeze %dma_start3A_42 : memref<1x16xf32, #tpu.memory_space<hbm>> -> memref<16xf32, #tpu.memory_space<hbm>>
        tpu.enqueue_dma source(%dma_start3A_43 : memref<16xf32, #tpu.memory_space<hbm>>) target(%dma_start3A_41 : memref<16xf32, #tpu.memory_space<vmem>>) target_semaphore(%run_scoped3A_35 : memref<!tpu.dma_semaphore, #tpu.memory_space<semaphore_mem>>)
        %dma_wait3A_44 = arith.constant 0 : i32
        %dma_wait3A_45 = tpu.memref_slice %arg7[%dma_wait3A_44] : memref<48xf32, #tpu.memory_space<vmem>> -> memref<16xf32, #tpu.memory_space<vmem>>
        %dma_wait3A_46 = tpu.memref_slice %arg4[%run_scoped3A_12, %add3A_11] : memref<3x65536xf32, #tpu.memory_space<hbm>> -> memref<1x16xf32, #tpu.memory_space<hbm>>
        %dma_wait3A_47 = tpu.memref_squeeze %dma_wait3A_46 : memref<1x16xf32, #tpu.memory_space<hbm>> -> memref<16xf32, #tpu.memory_space<hbm>>
        %dma_wait3A_48 = arith.constant 0 : i32
        %dma_wait3A_49 = tpu.memref_slice %arg7[%dma_wait3A_48] : memref<48xf32, #tpu.memory_space<vmem>> -> memref<16xf32, #tpu.memory_space<vmem>>
        %dma_wait3A_50 = tpu.memref_slice %arg4[%run_scoped3A_12, %add3A_11] : memref<3x65536xf32, #tpu.memory_space<hbm>> -> memref<1x16xf32, #tpu.memory_space<hbm>>
        %dma_wait3A_51 = tpu.memref_squeeze %dma_wait3A_50 : memref<1x16xf32, #tpu.memory_space<hbm>> -> memref<16xf32, #tpu.memory_space<hbm>>
        tpu.wait_dma2 semaphore(%run_scoped3A_35 : memref<!tpu.dma_semaphore, #tpu.memory_space<semaphore_mem>>) src(%dma_wait3A_51 : memref<16xf32, #tpu.memory_space<hbm>>) dst(%dma_wait3A_49 : memref<16xf32, #tpu.memory_space<vmem>>)
        tpu.yield
      }) : () -> ()
      %run_scoped3A_13 = arith.constant 1 : i32
      "tpu.region"() ({
        %run_scoped3A_35 = tpu.sem_alloc : memref<!tpu.dma_semaphore, #tpu.memory_space<semaphore_mem>>
        %dma_start3A_36 = arith.constant 16 : i32
        %dma_start3A_37 = tpu.memref_slice %arg6[%dma_start3A_36] : memref<48xi32, #tpu.memory_space<vmem>> -> memref<16xi32, #tpu.memory_space<vmem>>
        %dma_start3A_38 = tpu.memref_slice %arg3[%run_scoped3A_13, %add3A_11] : memref<3x65536xi32, #tpu.memory_space<hbm>> -> memref<1x16xi32, #tpu.memory_space<hbm>>
        %dma_start3A_39 = tpu.memref_squeeze %dma_start3A_38 : memref<1x16xi32, #tpu.memory_space<hbm>> -> memref<16xi32, #tpu.memory_space<hbm>>
        %dma_start3A_40 = arith.constant 16 : i32
        %dma_start3A_41 = tpu.memref_slice %arg6[%dma_start3A_40] : memref<48xi32, #tpu.memory_space<vmem>> -> memref<16xi32, #tpu.memory_space<vmem>>
        %dma_start3A_42 = tpu.memref_slice %arg3[%run_scoped3A_13, %add3A_11] : memref<3x65536xi32, #tpu.memory_space<hbm>> -> memref<1x16xi32, #tpu.memory_space<hbm>>
        %dma_start3A_43 = tpu.memref_squeeze %dma_start3A_42 : memref<1x16xi32, #tpu.memory_space<hbm>> -> memref<16xi32, #tpu.memory_space<hbm>>
        tpu.enqueue_dma source(%dma_start3A_43 : memref<16xi32, #tpu.memory_space<hbm>>) target(%dma_start3A_41 : memref<16xi32, #tpu.memory_space<vmem>>) target_semaphore(%run_scoped3A_35 : memref<!tpu.dma_semaphore, #tpu.memory_space<semaphore_mem>>)
        %dma_wait3A_44 = arith.constant 16 : i32
        %dma_wait3A_45 = tpu.memref_slice %arg6[%dma_wait3A_44] : memref<48xi32, #tpu.memory_space<vmem>> -> memref<16xi32, #tpu.memory_space<vmem>>
        %dma_wait3A_46 = tpu.memref_slice %arg3[%run_scoped3A_13, %add3A_11] : memref<3x65536xi32, #tpu.memory_space<hbm>> -> memref<1x16xi32, #tpu.memory_space<hbm>>
        %dma_wait3A_47 = tpu.memref_squeeze %dma_wait3A_46 : memref<1x16xi32, #tpu.memory_space<hbm>> -> memref<16xi32, #tpu.memory_space<hbm>>
        %dma_wait3A_48 = arith.constant 16 : i32
        %dma_wait3A_49 = tpu.memref_slice %arg6[%dma_wait3A_48] : memref<48xi32, #tpu.memory_space<vmem>> -> memref<16xi32, #tpu.memory_space<vmem>>
        %dma_wait3A_50 = tpu.memref_slice %arg3[%run_scoped3A_13, %add3A_11] : memref<3x65536xi32, #tpu.memory_space<hbm>> -> memref<1x16xi32, #tpu.memory_space<hbm>>
        %dma_wait3A_51 = tpu.memref_squeeze %dma_wait3A_50 : memref<1x16xi32, #tpu.memory_space<hbm>> -> memref<16xi32, #tpu.memory_space<hbm>>
        tpu.wait_dma2 semaphore(%run_scoped3A_35 : memref<!tpu.dma_semaphore, #tpu.memory_space<semaphore_mem>>) src(%dma_wait3A_51 : memref<16xi32, #tpu.memory_space<hbm>>) dst(%dma_wait3A_49 : memref<16xi32, #tpu.memory_space<vmem>>)
        tpu.yield
      }) : () -> ()
      %run_scoped3A_14 = arith.constant 1 : i32
      "tpu.region"() ({
        %run_scoped3A_35 = tpu.sem_alloc : memref<!tpu.dma_semaphore, #tpu.memory_space<semaphore_mem>>
        %dma_start3A_36 = arith.constant 16 : i32
        %dma_start3A_37 = tpu.memref_slice %arg7[%dma_start3A_36] : memref<48xf32, #tpu.memory_space<vmem>> -> memref<16xf32, #tpu.memory_space<vmem>>
        %dma_start3A_38 = tpu.memref_slice %arg4[%run_scoped3A_14, %add3A_11] : memref<3x65536xf32, #tpu.memory_space<hbm>> -> memref<1x16xf32, #tpu.memory_space<hbm>>
        %dma_start3A_39 = tpu.memref_squeeze %dma_start3A_38 : memref<1x16xf32, #tpu.memory_space<hbm>> -> memref<16xf32, #tpu.memory_space<hbm>>
        %dma_start3A_40 = arith.constant 16 : i32
        %dma_start3A_41 = tpu.memref_slice %arg7[%dma_start3A_40] : memref<48xf32, #tpu.memory_space<vmem>> -> memref<16xf32, #tpu.memory_space<vmem>>
        %dma_start3A_42 = tpu.memref_slice %arg4[%run_scoped3A_14, %add3A_11] : memref<3x65536xf32, #tpu.memory_space<hbm>> -> memref<1x16xf32, #tpu.memory_space<hbm>>
        %dma_start3A_43 = tpu.memref_squeeze %dma_start3A_42 : memref<1x16xf32, #tpu.memory_space<hbm>> -> memref<16xf32, #tpu.memory_space<hbm>>
        tpu.enqueue_dma source(%dma_start3A_43 : memref<16xf32, #tpu.memory_space<hbm>>) target(%dma_start3A_41 : memref<16xf32, #tpu.memory_space<vmem>>) target_semaphore(%run_scoped3A_35 : memref<!tpu.dma_semaphore, #tpu.memory_space<semaphore_mem>>)
        %dma_wait3A_44 = arith.constant 16 : i32
        %dma_wait3A_45 = tpu.memref_slice %arg7[%dma_wait3A_44] : memref<48xf32, #tpu.memory_space<vmem>> -> memref<16xf32, #tpu.memory_space<vmem>>
        %dma_wait3A_46 = tpu.memref_slice %arg4[%run_scoped3A_14, %add3A_11] : memref<3x65536xf32, #tpu.memory_space<hbm>> -> memref<1x16xf32, #tpu.memory_space<hbm>>
        %dma_wait3A_47 = tpu.memref_squeeze %dma_wait3A_46 : memref<1x16xf32, #tpu.memory_space<hbm>> -> memref<16xf32, #tpu.memory_space<hbm>>
        %dma_wait3A_48 = arith.constant 16 : i32
        %dma_wait3A_49 = tpu.memref_slice %arg7[%dma_wait3A_48] : memref<48xf32, #tpu.memory_space<vmem>> -> memref<16xf32, #tpu.memory_space<vmem>>
        %dma_wait3A_50 = tpu.memref_slice %arg4[%run_scoped3A_14, %add3A_11] : memref<3x65536xf32, #tpu.memory_space<hbm>> -> memref<1x16xf32, #tpu.memory_space<hbm>>
        %dma_wait3A_51 = tpu.memref_squeeze %dma_wait3A_50 : memref<1x16xf32, #tpu.memory_space<hbm>> -> memref<16xf32, #tpu.memory_space<hbm>>
        tpu.wait_dma2 semaphore(%run_scoped3A_35 : memref<!tpu.dma_semaphore, #tpu.memory_space<semaphore_mem>>) src(%dma_wait3A_51 : memref<16xf32, #tpu.memory_space<hbm>>) dst(%dma_wait3A_49 : memref<16xf32, #tpu.memory_space<vmem>>)
        tpu.yield
      }) : () -> ()
      %run_scoped3A_15 = arith.constant 2 : i32
      "tpu.region"() ({
        %run_scoped3A_35 = tpu.sem_alloc : memref<!tpu.dma_semaphore, #tpu.memory_space<semaphore_mem>>
        %dma_start3A_36 = arith.constant 32 : i32
        %dma_start3A_37 = tpu.memref_slice %arg6[%dma_start3A_36] : memref<48xi32, #tpu.memory_space<vmem>> -> memref<16xi32, #tpu.memory_space<vmem>>
        %dma_start3A_38 = tpu.memref_slice %arg3[%run_scoped3A_15, %add3A_11] : memref<3x65536xi32, #tpu.memory_space<hbm>> -> memref<1x16xi32, #tpu.memory_space<hbm>>
        %dma_start3A_39 = tpu.memref_squeeze %dma_start3A_38 : memref<1x16xi32, #tpu.memory_space<hbm>> -> memref<16xi32, #tpu.memory_space<hbm>>
        %dma_start3A_40 = arith.constant 32 : i32
        %dma_start3A_41 = tpu.memref_slice %arg6[%dma_start3A_40] : memref<48xi32, #tpu.memory_space<vmem>> -> memref<16xi32, #tpu.memory_space<vmem>>
        %dma_start3A_42 = tpu.memref_slice %arg3[%run_scoped3A_15, %add3A_11] : memref<3x65536xi32, #tpu.memory_space<hbm>> -> memref<1x16xi32, #tpu.memory_space<hbm>>
        %dma_start3A_43 = tpu.memref_squeeze %dma_start3A_42 : memref<1x16xi32, #tpu.memory_space<hbm>> -> memref<16xi32, #tpu.memory_space<hbm>>
        tpu.enqueue_dma source(%dma_start3A_43 : memref<16xi32, #tpu.memory_space<hbm>>) target(%dma_start3A_41 : memref<16xi32, #tpu.memory_space<vmem>>) target_semaphore(%run_scoped3A_35 : memref<!tpu.dma_semaphore, #tpu.memory_space<semaphore_mem>>)
        %dma_wait3A_44 = arith.constant 32 : i32
        %dma_wait3A_45 = tpu.memref_slice %arg6[%dma_wait3A_44] : memref<48xi32, #tpu.memory_space<vmem>> -> memref<16xi32, #tpu.memory_space<vmem>>
        %dma_wait3A_46 = tpu.memref_slice %arg3[%run_scoped3A_15, %add3A_11] : memref<3x65536xi32, #tpu.memory_space<hbm>> -> memref<1x16xi32, #tpu.memory_space<hbm>>
        %dma_wait3A_47 = tpu.memref_squeeze %dma_wait3A_46 : memref<1x16xi32, #tpu.memory_space<hbm>> -> memref<16xi32, #tpu.memory_space<hbm>>
        %dma_wait3A_48 = arith.constant 32 : i32
        %dma_wait3A_49 = tpu.memref_slice %arg6[%dma_wait3A_48] : memref<48xi32, #tpu.memory_space<vmem>> -> memref<16xi32, #tpu.memory_space<vmem>>
        %dma_wait3A_50 = tpu.memref_slice %arg3[%run_scoped3A_15, %add3A_11] : memref<3x65536xi32, #tpu.memory_space<hbm>> -> memref<1x16xi32, #tpu.memory_space<hbm>>
        %dma_wait3A_51 = tpu.memref_squeeze %dma_wait3A_50 : memref<1x16xi32, #tpu.memory_space<hbm>> -> memref<16xi32, #tpu.memory_space<hbm>>
        tpu.wait_dma2 semaphore(%run_scoped3A_35 : memref<!tpu.dma_semaphore, #tpu.memory_space<semaphore_mem>>) src(%dma_wait3A_51 : memref<16xi32, #tpu.memory_space<hbm>>) dst(%dma_wait3A_49 : memref<16xi32, #tpu.memory_space<vmem>>)
        tpu.yield
      }) : () -> ()
      %run_scoped3A_16 = arith.constant 2 : i32
      "tpu.region"() ({
        %run_scoped3A_35 = tpu.sem_alloc : memref<!tpu.dma_semaphore, #tpu.memory_space<semaphore_mem>>
        %dma_start3A_36 = arith.constant 32 : i32
        %dma_start3A_37 = tpu.memref_slice %arg7[%dma_start3A_36] : memref<48xf32, #tpu.memory_space<vmem>> -> memref<16xf32, #tpu.memory_space<vmem>>
        %dma_start3A_38 = tpu.memref_slice %arg4[%run_scoped3A_16, %add3A_11] : memref<3x65536xf32, #tpu.memory_space<hbm>> -> memref<1x16xf32, #tpu.memory_space<hbm>>
        %dma_start3A_39 = tpu.memref_squeeze %dma_start3A_38 : memref<1x16xf32, #tpu.memory_space<hbm>> -> memref<16xf32, #tpu.memory_space<hbm>>
        %dma_start3A_40 = arith.constant 32 : i32
        %dma_start3A_41 = tpu.memref_slice %arg7[%dma_start3A_40] : memref<48xf32, #tpu.memory_space<vmem>> -> memref<16xf32, #tpu.memory_space<vmem>>
        %dma_start3A_42 = tpu.memref_slice %arg4[%run_scoped3A_16, %add3A_11] : memref<3x65536xf32, #tpu.memory_space<hbm>> -> memref<1x16xf32, #tpu.memory_space<hbm>>
        %dma_start3A_43 = tpu.memref_squeeze %dma_start3A_42 : memref<1x16xf32, #tpu.memory_space<hbm>> -> memref<16xf32, #tpu.memory_space<hbm>>
        tpu.enqueue_dma source(%dma_start3A_43 : memref<16xf32, #tpu.memory_space<hbm>>) target(%dma_start3A_41 : memref<16xf32, #tpu.memory_space<vmem>>) target_semaphore(%run_scoped3A_35 : memref<!tpu.dma_semaphore, #tpu.memory_space<semaphore_mem>>)
        %dma_wait3A_44 = arith.constant 32 : i32
        %dma_wait3A_45 = tpu.memref_slice %arg7[%dma_wait3A_44] : memref<48xf32, #tpu.memory_space<vmem>> -> memref<16xf32, #tpu.memory_space<vmem>>
        %dma_wait3A_46 = tpu.memref_slice %arg4[%run_scoped3A_16, %add3A_11] : memref<3x65536xf32, #tpu.memory_space<hbm>> -> memref<1x16xf32, #tpu.memory_space<hbm>>
        %dma_wait3A_47 = tpu.memref_squeeze %dma_wait3A_46 : memref<1x16xf32, #tpu.memory_space<hbm>> -> memref<16xf32, #tpu.memory_space<hbm>>
        %dma_wait3A_48 = arith.constant 32 : i32
        %dma_wait3A_49 = tpu.memref_slice %arg7[%dma_wait3A_48] : memref<48xf32, #tpu.memory_space<vmem>> -> memref<16xf32, #tpu.memory_space<vmem>>
        %dma_wait3A_50 = tpu.memref_slice %arg4[%run_scoped3A_16, %add3A_11] : memref<3x65536xf32, #tpu.memory_space<hbm>> -> memref<1x16xf32, #tpu.memory_space<hbm>>
        %dma_wait3A_51 = tpu.memref_squeeze %dma_wait3A_50 : memref<1x16xf32, #tpu.memory_space<hbm>> -> memref<16xf32, #tpu.memory_space<hbm>>
        tpu.wait_dma2 semaphore(%run_scoped3A_35 : memref<!tpu.dma_semaphore, #tpu.memory_space<semaphore_mem>>) src(%dma_wait3A_51 : memref<16xf32, #tpu.memory_space<hbm>>) dst(%dma_wait3A_49 : memref<16xf32, #tpu.memory_space<vmem>>)
        tpu.yield
      }) : () -> ()
      %dma_start3A = arith.constant 0 : i32
      %dma_start3A_17 = arith.constant 0 : i32
      %dma_start3A_18 = tpu.memref_slice %arg2[%dma_start3A, %dma_start3A_17] : memref<16384x512xf32, #tpu.memory_space<hbm>> -> memref<16384x512xf32, #tpu.memory_space<hbm>>
      tpu.enqueue_indirect_dma source(%dma_start3A_18 : memref<16384x512xf32, #tpu.memory_space<hbm>>) target(%arg8 : memref<48x512xf32, #tpu.memory_space<vmem>>) offsets(%arg6 : memref<48xi32, #tpu.memory_space<vmem>>) semaphore(%arg10 : memref<!tpu.dma_semaphore, #tpu.memory_space<semaphore_mem>>)
      %dma_wait3A = arith.constant 0 : i32
      %dma_wait3A_19 = arith.constant 0 : i32
      %dma_wait3A_20 = tpu.memref_slice %arg2[%dma_wait3A, %dma_wait3A_19] : memref<16384x512xf32, #tpu.memory_space<hbm>> -> memref<16384x512xf32, #tpu.memory_space<hbm>>
      tpu.wait_indirect_dma semaphore(%arg10 : memref<!tpu.dma_semaphore, #tpu.memory_space<semaphore_mem>>) src(%dma_wait3A_20 : memref<16384x512xf32, #tpu.memory_space<hbm>>) dst(%arg8 : memref<48x512xf32, #tpu.memory_space<vmem>>)
      %get3A = arith.constant 0 : index
      %get3A_21 = tpu.vector_load %arg7[%get3A] {strides = array<i32>} : memref<48xf32, #tpu.memory_space<vmem>>, vector<16xf32>,
      %get3A_22 = vector.shape_cast %get3A_21 : vector<16xf32> to vector<16xf32>
      %get3A_23 = arith.constant 16 : index
      %get3A_24 = tpu.vector_load %arg7[%get3A_23] {strides = array<i32>} : memref<48xf32, #tpu.memory_space<vmem>>, vector<16xf32>,
      %get3A_25 = vector.shape_cast %get3A_24 : vector<16xf32> to vector<16xf32>
      %get3A_26 = arith.constant 32 : index
      %get3A_27 = tpu.vector_load %arg7[%get3A_26] {strides = array<i32>} : memref<48xf32, #tpu.memory_space<vmem>>, vector<16xf32>,
      %get3A_28 = vector.shape_cast %get3A_27 : vector<16xf32> to vector<16xf32>
      %scan3A_29 = arith.constant 0 : i32
      %scan3A_30 = arith.constant 0 : i32
      %scan3A_31 = arith.constant 16 : i32
      %scan3A_32 = arith.addi %scan3A_30, %scan3A_31 : i32
      %scan3A_33 = arith.constant 1 : i32
      scf.for %scan3A_35 = %scan3A_30 to %scan3A_32 step %scan3A_33  : i32 {
        %broadcast_in_dim3A = arith.constant 0 : i32
        %broadcast_in_dim3A_36 = vector.broadcast %broadcast_in_dim3A : i32 to vector<16xi32>
        %add3A_37 = vector.broadcast %scan3A_35 : i32 to vector<16xi32>
        %add3A_38 = arith.addi %broadcast_in_dim3A_36, %add3A_37 : vector<16xi32>
        %lt3A = arith.constant 0 : i32
        %lt3A_39 = vector.broadcast %lt3A : i32 to vector<16xi32>
        %lt3A_40 = arith.cmpi slt, %add3A_38, %lt3A_39 : vector<16xi32>
        %add3A_41 = arith.constant 16 : i32
        %add3A_42 = vector.broadcast %add3A_41 : i32 to vector<16xi32>
        %add3A_43 = arith.addi %add3A_38, %add3A_42 : vector<16xi32>
        %select_n3A = arith.select %lt3A_40, %add3A_43, %add3A_38 : vector<16xi1>, vector<16xi32>
        %broadcast_in_dim3A_44 = vector.shape_cast %select_n3A : vector<16xi32> to vector<16x1xi32>
        %gather3A = vector.shape_cast %broadcast_in_dim3A_44 : vector<16x1xi32> to vector<16xi32>
        %gather3A_45 = tpu.dynamic_gather %get3A_22[%gather3A] in [0] : vector<16xf32>, vector<16xi32> -> vector<16xf32>
        %lt3A_46 = arith.constant 0 : i32
        %lt3A_47 = vector.broadcast %lt3A_46 : i32 to vector<16xi32>
        %lt3A_48 = arith.cmpi slt, %add3A_38, %lt3A_47 : vector<16xi32>
        %add3A_49 = arith.constant 16 : i32
        %add3A_50 = vector.broadcast %add3A_49 : i32 to vector<16xi32>
        %add3A_51 = arith.addi %add3A_38, %add3A_50 : vector<16xi32>
        %select_n3A_52 = arith.select %lt3A_48, %add3A_51, %add3A_38 : vector<16xi1>, vector<16xi32>
        %broadcast_in_dim3A_53 = vector.shape_cast %select_n3A_52 : vector<16xi32> to vector<16x1xi32>
        %gather3A_54 = vector.shape_cast %broadcast_in_dim3A_53 : vector<16x1xi32> to vector<16xi32>
        %gather3A_55 = tpu.dynamic_gather %get3A_25[%gather3A_54] in [0] : vector<16xf32>, vector<16xi32> -> vector<16xf32>
        %lt3A_56 = arith.constant 0 : i32
        %lt3A_57 = vector.broadcast %lt3A_56 : i32 to vector<16xi32>
        %lt3A_58 = arith.cmpi slt, %add3A_38, %lt3A_57 : vector<16xi32>
        %add3A_59 = arith.constant 16 : i32
        %add3A_60 = vector.broadcast %add3A_59 : i32 to vector<16xi32>
        %add3A_61 = arith.addi %add3A_38, %add3A_60 : vector<16xi32>
        %select_n3A_62 = arith.select %lt3A_58, %add3A_61, %add3A_38 : vector<16xi1>, vector<16xi32>
        %broadcast_in_dim3A_63 = vector.shape_cast %select_n3A_62 : vector<16xi32> to vector<16x1xi32>
        %gather3A_64 = vector.shape_cast %broadcast_in_dim3A_63 : vector<16x1xi32> to vector<16xi32>
        %gather3A_65 = tpu.dynamic_gather %get3A_28[%gather3A_64] in [0] : vector<16xf32>, vector<16xi32> -> vector<16xf32>
        %get3A_66 = arith.index_cast %scan3A_35 : i32 to index
        %get3A_67 = arith.constant 0 : index
        %get3A_68 = tpu.vector_load %arg8[%get3A_66, %get3A_67] {strides = array<i32>} : memref<48x512xf32, #tpu.memory_space<vmem>>, vector<1x16xf32>,
        %get3A_69 = vector.shape_cast %get3A_68 : vector<1x16xf32> to vector<16xf32>
        %mul3A_70 = arith.mulf %gather3A_45, %get3A_69 : vector<16xf32>
        %add3A_71 = arith.constant 16 : i32
        %add3A_72 = arith.addi %add3A_71, %scan3A_35 : i32
        %get3A_73 = arith.index_cast %add3A_72 : i32 to index
        %get3A_74 = arith.constant 0 : index
        %get3A_75 = tpu.vector_load %arg8[%get3A_73, %get3A_74] {strides = array<i32>} : memref<48x512xf32, #tpu.memory_space<vmem>>, vector<1x16xf32>,
        %get3A_76 = vector.shape_cast %get3A_75 : vector<1x16xf32> to vector<16xf32>
        %mul3A_77 = arith.mulf %gather3A_55, %get3A_76 : vector<16xf32>
        %add3A_78 = arith.addf %mul3A_70, %mul3A_77 : vector<16xf32>
        %add3A_79 = arith.constant 32 : i32
        %add3A_80 = arith.addi %add3A_79, %scan3A_35 : i32
        %get3A_81 = arith.index_cast %add3A_80 : i32 to index
        %get3A_82 = arith.constant 0 : index
        %get3A_83 = tpu.vector_load %arg8[%get3A_81, %get3A_82] {strides = array<i32>} : memref<48x512xf32, #tpu.memory_space<vmem>>, vector<1x16xf32>,
        %get3A_84 = vector.shape_cast %get3A_83 : vector<1x16xf32> to vector<16xf32>
        %mul3A_85 = arith.mulf %gather3A_65, %get3A_84 : vector<16xf32>
        %add3A_86 = arith.addf %add3A_78, %mul3A_85 : vector<16xf32>
        %swap3A = arith.index_cast %scan3A_35 : i32 to index
        %swap3A_87 = arith.constant 0 : index
        %swap3A_88 = tpu.vector_load %arg9[%swap3A, %swap3A_87] {strides = array<i32>} : memref<16x512xf32, #tpu.memory_space<vmem>>, vector<1x16xf32>,
        %swap3A_89 = vector.shape_cast %swap3A_88 : vector<1x16xf32> to vector<16xf32>
        %swap3A_90 = vector.shape_cast %add3A_86 : vector<16xf32> to vector<1x16xf32>
        tpu.vector_store %arg9[%swap3A, %swap3A_87], %swap3A_90 {strides = array<i32>} : memref<16x512xf32, #tpu.memory_space<vmem>>, vector<1x16xf32>,
        %get3A_91 = arith.index_cast %scan3A_35 : i32 to index
        %get3A_92 = arith.constant 16 : index
        %get3A_93 = tpu.vector_load %arg8[%get3A_91, %get3A_92] {strides = array<i32>} : memref<48x512xf32, #tpu.memory_space<vmem>>, vector<1x16xf32>,
        %get3A_94 = vector.shape_cast %get3A_93 : vector<1x16xf32> to vector<16xf32>
        %mul3A_95 = arith.mulf %gather3A_45, %get3A_94 : vector<16xf32>
        %add3A_96 = arith.constant 16 : i32
        %add3A_97 = arith.addi %add3A_96, %scan3A_35 : i32
        %get3A_98 = arith.index_cast %add3A_97 : i32 to index
        %get3A_99 = arith.constant 16 : index
        %get3A_100 = tpu.vector_load %arg8[%get3A_98, %get3A_99] {strides = array<i32>} : memref<48x512xf32, #tpu.memory_space<vmem>>, vector<1x16xf32>,
        %get3A_101 = vector.shape_cast %get3A_100 : vector<1x16xf32> to vector<16xf32>
        %mul3A_102 = arith.mulf %gather3A_55, %get3A_101 : vector<16xf32>
        %add3A_103 = arith.addf %mul3A_95, %mul3A_102 : vector<16xf32>
        %add3A_104 = arith.constant 32 : i32
        %add3A_105 = arith.addi %add3A_104, %scan3A_35 : i32
        %get3A_106 = arith.index_cast %add3A_105 : i32 to index
        %get3A_107 = arith.constant 16 : index
        %get3A_108 = tpu.vector_load %arg8[%get3A_106, %get3A_107] {strides = array<i32>} : memref<48x512xf32, #tpu.memory_space<vmem>>, vector<1x16xf32>,
        %get3A_109 = vector.shape_cast %get3A_108 : vector<1x16xf32> to vector<16xf32>
        %mul3A_110 = arith.mulf %gather3A_65, %get3A_109 : vector<16xf32>
        %add3A_111 = arith.addf %add3A_103, %mul3A_110 : vector<16xf32>
        %swap3A_112 = arith.index_cast %scan3A_35 : i32 to index
        %swap3A_113 = arith.constant 16 : index
        %swap3A_114 = tpu.vector_load %arg9[%swap3A_112, %swap3A_113] {strides = array<i32>} : memref<16x512xf32, #tpu.memory_space<vmem>>, vector<1x16xf32>,
        %swap3A_115 = vector.shape_cast %swap3A_114 : vector<1x16xf32> to vector<16xf32>
        %swap3A_116 = vector.shape_cast %add3A_111 : vector<16xf32> to vector<1x16xf32>
        tpu.vector_store %arg9[%swap3A_112, %swap3A_113], %swap3A_116 {strides = array<i32>} : memref<16x512xf32, #tpu.memory_space<vmem>>, vector<1x16xf32>,
        %get3A_117 = arith.index_cast %scan3A_35 : i32 to index
        %get3A_118 = arith.constant 32 : index
        %get3A_119 = tpu.vector_load %arg8[%get3A_117, %get3A_118] {strides = array<i32>} : memref<48x512xf32, #tpu.memory_space<vmem>>, vector<1x16xf32>,
        %get3A_120 = vector.shape_cast %get3A_119 : vector<1x16xf32> to vector<16xf32>
        %mul3A_121 = arith.mulf %gather3A_45, %get3A_120 : vector<16xf32>
        %add3A_122 = arith.constant 16 : i32
        %add3A_123 = arith.addi %add3A_122, %scan3A_35 : i32
        %get3A_124 = arith.index_cast %add3A_123 : i32 to index
        %get3A_125 = arith.constant 32 : index
        %get3A_126 = tpu.vector_load %arg8[%get3A_124, %get3A_125] {strides = array<i32>} : memref<48x512xf32, #tpu.memory_space<vmem>>, vector<1x16xf32>,
        %get3A_127 = vector.shape_cast %get3A_126 : vector<1x16xf32> to vector<16xf32>
        %mul3A_128 = arith.mulf %gather3A_55, %get3A_127 : vector<16xf32>
        %add3A_129 = arith.addf %mul3A_121, %mul3A_128 : vector<16xf32>
        %add3A_130 = arith.constant 32 : i32
        %add3A_131 = arith.addi %add3A_130, %scan3A_35 : i32
        %get3A_132 = arith.index_cast %add3A_131 : i32 to index
        %get3A_133 = arith.constant 32 : index
        %get3A_134 = tpu.vector_load %arg8[%get3A_132, %get3A_133] {strides = array<i32>} : memref<48x512xf32, #tpu.memory_space<vmem>>, vector<1x16xf32>,
        %get3A_135 = vector.shape_cast %get3A_134 : vector<1x16xf32> to vector<16xf32>
        %mul3A_136 = arith.mulf %gather3A_65, %get3A_135 : vector<16xf32>
        %add3A_137 = arith.addf %add3A_129, %mul3A_136 : vector<16xf32>
        %swap3A_138 = arith.index_cast %scan3A_35 : i32 to index
        %swap3A_139 = arith.constant 32 : index
        %swap3A_140 = tpu.vector_load %arg9[%swap3A_138, %swap3A_139] {strides = array<i32>} : memref<16x512xf32, #tpu.memory_space<vmem>>, vector<1x16xf32>,
        %swap3A_141 = vector.shape_cast %swap3A_140 : vector<1x16xf32> to vector<16xf32>
        %swap3A_142 = vector.shape_cast %add3A_137 : vector<16xf32> to vector<1x16xf32>
        tpu.vector_store %arg9[%swap3A_138, %swap3A_139], %swap3A_142 {strides = array<i32>} : memref<16x512xf32, #tpu.memory_space<vmem>>, vector<1x16xf32>,
        %get3A_143 = arith.index_cast %scan3A_35 : i32 to index
        %get3A_144 = arith.constant 48 : index
        %get3A_145 = tpu.vector_load %arg8[%get3A_143, %get3A_144] {strides = array<i32>} : memref<48x512xf32, #tpu.memory_space<vmem>>, vector<1x16xf32>,
        %get3A_146 = vector.shape_cast %get3A_145 : vector<1x16xf32> to vector<16xf32>
        %mul3A_147 = arith.mulf %gather3A_45, %get3A_146 : vector<16xf32>
        %add3A_148 = arith.constant 16 : i32
        %add3A_149 = arith.addi %add3A_148, %scan3A_35 : i32
        %get3A_150 = arith.index_cast %add3A_149 : i32 to index
        %get3A_151 = arith.constant 48 : index
        %get3A_152 = tpu.vector_load %arg8[%get3A_150, %get3A_151] {strides = array<i32>} : memref<48x512xf32, #tpu.memory_space<vmem>>, vector<1x16xf32>,
        %get3A_153 = vector.shape_cast %get3A_152 : vector<1x16xf32> to vector<16xf32>
        %mul3A_154 = arith.mulf %gather3A_55, %get3A_153 : vector<16xf32>
        %add3A_155 = arith.addf %mul3A_147, %mul3A_154 : vector<16xf32>
        %add3A_156 = arith.constant 32 : i32
        %add3A_157 = arith.addi %add3A_156, %scan3A_35 : i32
        %get3A_158 = arith.index_cast %add3A_157 : i32 to index
        %get3A_159 = arith.constant 48 : index
        %get3A_160 = tpu.vector_load %arg8[%get3A_158, %get3A_159] {strides = array<i32>} : memref<48x512xf32, #tpu.memory_space<vmem>>, vector<1x16xf32>,
        %get3A_161 = vector.shape_cast %get3A_160 : vector<1x16xf32> to vector<16xf32>
        %mul3A_162 = arith.mulf %gather3A_65, %get3A_161 : vector<16xf32>
        %add3A_163 = arith.addf %add3A_155, %mul3A_162 : vector<16xf32>
        %swap3A_164 = arith.index_cast %scan3A_35 : i32 to index
        %swap3A_165 = arith.constant 48 : index
        %swap3A_166 = tpu.vector_load %arg9[%swap3A_164, %swap3A_165] {strides = array<i32>} : memref<16x512xf32, #tpu.memory_space<vmem>>, vector<1x16xf32>,
        %swap3A_167 = vector.shape_cast %swap3A_166 : vector<1x16xf32> to vector<16xf32>
        %swap3A_168 = vector.shape_cast %add3A_163 : vector<16xf32> to vector<1x16xf32>
        tpu.vector_store %arg9[%swap3A_164, %swap3A_165], %swap3A_168 {strides = array<i32>} : memref<16x512xf32, #tpu.memory_space<vmem>>, vector<1x16xf32>,
        %get3A_169 = arith.index_cast %scan3A_35 : i32 to index
        %get3A_170 = arith.constant 64 : index
        %get3A_171 = tpu.vector_load %arg8[%get3A_169, %get3A_170] {strides = array<i32>} : memref<48x512xf32, #tpu.memory_space<vmem>>, vector<1x16xf32>,
        %get3A_172 = vector.shape_cast %get3A_171 : vector<1x16xf32> to vector<16xf32>
        %mul3A_173 = arith.mulf %gather3A_45, %get3A_172 : vector<16xf32>
        %add3A_174 = arith.constant 16 : i32
        %add3A_175 = arith.addi %add3A_174, %scan3A_35 : i32
        %get3A_176 = arith.index_cast %add3A_175 : i32 to index
        %get3A_177 = arith.constant 64 : index
        %get3A_178 = tpu.vector_load %arg8[%get3A_176, %get3A_177] {strides = array<i32>} : memref<48x512xf32, #tpu.memory_space<vmem>>, vector<1x16xf32>,
        %get3A_179 = vector.shape_cast %get3A_178 : vector<1x16xf32> to vector<16xf32>
        %mul3A_180 = arith.mulf %gather3A_55, %get3A_179 : vector<16xf32>
        %add3A_181 = arith.addf %mul3A_173, %mul3A_180 : vector<16xf32>
        %add3A_182 = arith.constant 32 : i32
        %add3A_183 = arith.addi %add3A_182, %scan3A_35 : i32
        %get3A_184 = arith.index_cast %add3A_183 : i32 to index
        %get3A_185 = arith.constant 64 : index
        %get3A_186 = tpu.vector_load %arg8[%get3A_184, %get3A_185] {strides = array<i32>} : memref<48x512xf32, #tpu.memory_space<vmem>>, vector<1x16xf32>,
        %get3A_187 = vector.shape_cast %get3A_186 : vector<1x16xf32> to vector<16xf32>
        %mul3A_188 = arith.mulf %gather3A_65, %get3A_187 : vector<16xf32>
        %add3A_189 = arith.addf %add3A_181, %mul3A_188 : vector<16xf32>
        %swap3A_190 = arith.index_cast %scan3A_35 : i32 to index
        %swap3A_191 = arith.constant 64 : index
        %swap3A_192 = tpu.vector_load %arg9[%swap3A_190, %swap3A_191] {strides = array<i32>} : memref<16x512xf32, #tpu.memory_space<vmem>>, vector<1x16xf32>,
        %swap3A_193 = vector.shape_cast %swap3A_192 : vector<1x16xf32> to vector<16xf32>
        %swap3A_194 = vector.shape_cast %add3A_189 : vector<16xf32> to vector<1x16xf32>
        tpu.vector_store %arg9[%swap3A_190, %swap3A_191], %swap3A_194 {strides = array<i32>} : memref<16x512xf32, #tpu.memory_space<vmem>>, vector<1x16xf32>,
        %get3A_195 = arith.index_cast %scan3A_35 : i32 to index
        %get3A_196 = arith.constant 80 : index
        %get3A_197 = tpu.vector_load %arg8[%get3A_195, %get3A_196] {strides = array<i32>} : memref<48x512xf32, #tpu.memory_space<vmem>>, vector<1x16xf32>,
        %get3A_198 = vector.shape_cast %get3A_197 : vector<1x16xf32> to vector<16xf32>
        %mul3A_199 = arith.mulf %gather3A_45, %get3A_198 : vector<16xf32>
        %add3A_200 = arith.constant 16 : i32
        %add3A_201 = arith.addi %add3A_200, %scan3A_35 : i32
        %get3A_202 = arith.index_cast %add3A_201 : i32 to index
        %get3A_203 = arith.constant 80 : index
        %get3A_204 = tpu.vector_load %arg8[%get3A_202, %get3A_203] {strides = array<i32>} : memref<48x512xf32, #tpu.memory_space<vmem>>, vector<1x16xf32>,
        %get3A_205 = vector.shape_cast %get3A_204 : vector<1x16xf32> to vector<16xf32>
        %mul3A_206 = arith.mulf %gather3A_55, %get3A_205 : vector<16xf32>
        %add3A_207 = arith.addf %mul3A_199, %mul3A_206 : vector<16xf32>
        %add3A_208 = arith.constant 32 : i32
        %add3A_209 = arith.addi %add3A_208, %scan3A_35 : i32
        %get3A_210 = arith.index_cast %add3A_209 : i32 to index
        %get3A_211 = arith.constant 80 : index
        %get3A_212 = tpu.vector_load %arg8[%get3A_210, %get3A_211] {strides = array<i32>} : memref<48x512xf32, #tpu.memory_space<vmem>>, vector<1x16xf32>,
        %get3A_213 = vector.shape_cast %get3A_212 : vector<1x16xf32> to vector<16xf32>
        %mul3A_214 = arith.mulf %gather3A_65, %get3A_213 : vector<16xf32>
        %add3A_215 = arith.addf %add3A_207, %mul3A_214 : vector<16xf32>
        %swap3A_216 = arith.index_cast %scan3A_35 : i32 to index
        %swap3A_217 = arith.constant 80 : index
        %swap3A_218 = tpu.vector_load %arg9[%swap3A_216, %swap3A_217] {strides = array<i32>} : memref<16x512xf32, #tpu.memory_space<vmem>>, vector<1x16xf32>,
        %swap3A_219 = vector.shape_cast %swap3A_218 : vector<1x16xf32> to vector<16xf32>
        %swap3A_220 = vector.shape_cast %add3A_215 : vector<16xf32> to vector<1x16xf32>
        tpu.vector_store %arg9[%swap3A_216, %swap3A_217], %swap3A_220 {strides = array<i32>} : memref<16x512xf32, #tpu.memory_space<vmem>>, vector<1x16xf32>,
        %get3A_221 = arith.index_cast %scan3A_35 : i32 to index
        %get3A_222 = arith.constant 96 : index
        %get3A_223 = tpu.vector_load %arg8[%get3A_221, %get3A_222] {strides = array<i32>} : memref<48x512xf32, #tpu.memory_space<vmem>>, vector<1x16xf32>,
        %get3A_224 = vector.shape_cast %get3A_223 : vector<1x16xf32> to vector<16xf32>
        %mul3A_225 = arith.mulf %gather3A_45, %get3A_224 : vector<16xf32>
        %add3A_226 = arith.constant 16 : i32
        %add3A_227 = arith.addi %add3A_226, %scan3A_35 : i32
        %get3A_228 = arith.index_cast %add3A_227 : i32 to index
        %get3A_229 = arith.constant 96 : index
        %get3A_230 = tpu.vector_load %arg8[%get3A_228, %get3A_229] {strides = array<i32>} : memref<48x512xf32, #tpu.memory_space<vmem>>, vector<1x16xf32>,
        %get3A_231 = vector.shape_cast %get3A_230 : vector<1x16xf32> to vector<16xf32>
        %mul3A_232 = arith.mulf %gather3A_55, %get3A_231 : vector<16xf32>
        %add3A_233 = arith.addf %mul3A_225, %mul3A_232 : vector<16xf32>
        %add3A_234 = arith.constant 32 : i32
        %add3A_235 = arith.addi %add3A_234, %scan3A_35 : i32
        %get3A_236 = arith.index_cast %add3A_235 : i32 to index
        %get3A_237 = arith.constant 96 : index
        %get3A_238 = tpu.vector_load %arg8[%get3A_236, %get3A_237] {strides = array<i32>} : memref<48x512xf32, #tpu.memory_space<vmem>>, vector<1x16xf32>,
        %get3A_239 = vector.shape_cast %get3A_238 : vector<1x16xf32> to vector<16xf32>
        %mul3A_240 = arith.mulf %gather3A_65, %get3A_239 : vector<16xf32>
        %add3A_241 = arith.addf %add3A_233, %mul3A_240 : vector<16xf32>
        %swap3A_242 = arith.index_cast %scan3A_35 : i32 to index
        %swap3A_243 = arith.constant 96 : index
        %swap3A_244 = tpu.vector_load %arg9[%swap3A_242, %swap3A_243] {strides = array<i32>} : memref<16x512xf32, #tpu.memory_space<vmem>>, vector<1x16xf32>,
        %swap3A_245 = vector.shape_cast %swap3A_244 : vector<1x16xf32> to vector<16xf32>
        %swap3A_246 = vector.shape_cast %add3A_241 : vector<16xf32> to vector<1x16xf32>
        tpu.vector_store %arg9[%swap3A_242, %swap3A_243], %swap3A_246 {strides = array<i32>} : memref<16x512xf32, #tpu.memory_space<vmem>>, vector<1x16xf32>,
        %get3A_247 = arith.index_cast %scan3A_35 : i32 to index
        %get3A_248 = arith.constant 112 : index
        %get3A_249 = tpu.vector_load %arg8[%get3A_247, %get3A_248] {strides = array<i32>} : memref<48x512xf32, #tpu.memory_space<vmem>>, vector<1x16xf32>,
        %get3A_250 = vector.shape_cast %get3A_249 : vector<1x16xf32> to vector<16xf32>
        %mul3A_251 = arith.mulf %gather3A_45, %get3A_250 : vector<16xf32>
        %add3A_252 = arith.constant 16 : i32
        %add3A_253 = arith.addi %add3A_252, %scan3A_35 : i32
        %get3A_254 = arith.index_cast %add3A_253 : i32 to index
        %get3A_255 = arith.constant 112 : index
        %get3A_256 = tpu.vector_load %arg8[%get3A_254, %get3A_255] {strides = array<i32>} : memref<48x512xf32, #tpu.memory_space<vmem>>, vector<1x16xf32>,
        %get3A_257 = vector.shape_cast %get3A_256 : vector<1x16xf32> to vector<16xf32>
        %mul3A_258 = arith.mulf %gather3A_55, %get3A_257 : vector<16xf32>
        %add3A_259 = arith.addf %mul3A_251, %mul3A_258 : vector<16xf32>
        %add3A_260 = arith.constant 32 : i32
        %add3A_261 = arith.addi %add3A_260, %scan3A_35 : i32
        %get3A_262 = arith.index_cast %add3A_261 : i32 to index
        %get3A_263 = arith.constant 112 : index
        %get3A_264 = tpu.vector_load %arg8[%get3A_262, %get3A_263] {strides = array<i32>} : memref<48x512xf32, #tpu.memory_space<vmem>>, vector<1x16xf32>,
        %get3A_265 = vector.shape_cast %get3A_264 : vector<1x16xf32> to vector<16xf32>
        %mul3A_266 = arith.mulf %gather3A_65, %get3A_265 : vector<16xf32>
        %add3A_267 = arith.addf %add3A_259, %mul3A_266 : vector<16xf32>
        %swap3A_268 = arith.index_cast %scan3A_35 : i32 to index
        %swap3A_269 = arith.constant 112 : index
        %swap3A_270 = tpu.vector_load %arg9[%swap3A_268, %swap3A_269] {strides = array<i32>} : memref<16x512xf32, #tpu.memory_space<vmem>>, vector<1x16xf32>,
        %swap3A_271 = vector.shape_cast %swap3A_270 : vector<1x16xf32> to vector<16xf32>
        %swap3A_272 = vector.shape_cast %add3A_267 : vector<16xf32> to vector<1x16xf32>
        tpu.vector_store %arg9[%swap3A_268, %swap3A_269], %swap3A_272 {strides = array<i32>} : memref<16x512xf32, #tpu.memory_space<vmem>>, vector<1x16xf32>,
        %get3A_273 = arith.index_cast %scan3A_35 : i32 to index
        %get3A_274 = arith.constant 128 : index
        %get3A_275 = tpu.vector_load %arg8[%get3A_273, %get3A_274] {strides = array<i32>} : memref<48x512xf32, #tpu.memory_space<vmem>>, vector<1x16xf32>,
        %get3A_276 = vector.shape_cast %get3A_275 : vector<1x16xf32> to vector<16xf32>
        %mul3A_277 = arith.mulf %gather3A_45, %get3A_276 : vector<16xf32>
        %add3A_278 = arith.constant 16 : i32
        %add3A_279 = arith.addi %add3A_278, %scan3A_35 : i32
        %get3A_280 = arith.index_cast %add3A_279 : i32 to index
        %get3A_281 = arith.constant 128 : index
        %get3A_282 = tpu.vector_load %arg8[%get3A_280, %get3A_281] {strides = array<i32>} : memref<48x512xf32, #tpu.memory_space<vmem>>, vector<1x16xf32>,
        %get3A_283 = vector.shape_cast %get3A_282 : vector<1x16xf32> to vector<16xf32>
        %mul3A_284 = arith.mulf %gather3A_55, %get3A_283 : vector<16xf32>
        %add3A_285 = arith.addf %mul3A_277, %mul3A_284 : vector<16xf32>
        %add3A_286 = arith.constant 32 : i32
        %add3A_287 = arith.addi %add3A_286, %scan3A_35 : i32
        %get3A_288 = arith.index_cast %add3A_287 : i32 to index
        %get3A_289 = arith.constant 128 : index
        %get3A_290 = tpu.vector_load %arg8[%get3A_288, %get3A_289] {strides = array<i32>} : memref<48x512xf32, #tpu.memory_space<vmem>>, vector<1x16xf32>,
        %get3A_291 = vector.shape_cast %get3A_290 : vector<1x16xf32> to vector<16xf32>
        %mul3A_292 = arith.mulf %gather3A_65, %get3A_291 : vector<16xf32>
        %add3A_293 = arith.addf %add3A_285, %mul3A_292 : vector<16xf32>
        %swap3A_294 = arith.index_cast %scan3A_35 : i32 to index
        %swap3A_295 = arith.constant 128 : index
        %swap3A_296 = tpu.vector_load %arg9[%swap3A_294, %swap3A_295] {strides = array<i32>} : memref<16x512xf32, #tpu.memory_space<vmem>>, vector<1x16xf32>,
        %swap3A_297 = vector.shape_cast %swap3A_296 : vector<1x16xf32> to vector<16xf32>
        %swap3A_298 = vector.shape_cast %add3A_293 : vector<16xf32> to vector<1x16xf32>
        tpu.vector_store %arg9[%swap3A_294, %swap3A_295], %swap3A_298 {strides = array<i32>} : memref<16x512xf32, #tpu.memory_space<vmem>>, vector<1x16xf32>,
        %get3A_299 = arith.index_cast %scan3A_35 : i32 to index
        %get3A_300 = arith.constant 144 : index
        %get3A_301 = tpu.vector_load %arg8[%get3A_299, %get3A_300] {strides = array<i32>} : memref<48x512xf32, #tpu.memory_space<vmem>>, vector<1x16xf32>,
        %get3A_302 = vector.shape_cast %get3A_301 : vector<1x16xf32> to vector<16xf32>
        %mul3A_303 = arith.mulf %gather3A_45, %get3A_302 : vector<16xf32>
        %add3A_304 = arith.constant 16 : i32
        %add3A_305 = arith.addi %add3A_304, %scan3A_35 : i32
        %get3A_306 = arith.index_cast %add3A_305 : i32 to index
        %get3A_307 = arith.constant 144 : index
        %get3A_308 = tpu.vector_load %arg8[%get3A_306, %get3A_307] {strides = array<i32>} : memref<48x512xf32, #tpu.memory_space<vmem>>, vector<1x16xf32>,
        %get3A_309 = vector.shape_cast %get3A_308 : vector<1x16xf32> to vector<16xf32>
        %mul3A_310 = arith.mulf %gather3A_55, %get3A_309 : vector<16xf32>
        %add3A_311 = arith.addf %mul3A_303, %mul3A_310 : vector<16xf32>
        %add3A_312 = arith.constant 32 : i32
        %add3A_313 = arith.addi %add3A_312, %scan3A_35 : i32
        %get3A_314 = arith.index_cast %add3A_313 : i32 to index
        %get3A_315 = arith.constant 144 : index
        %get3A_316 = tpu.vector_load %arg8[%get3A_314, %get3A_315] {strides = array<i32>} : memref<48x512xf32, #tpu.memory_space<vmem>>, vector<1x16xf32>,
        %get3A_317 = vector.shape_cast %get3A_316 : vector<1x16xf32> to vector<16xf32>
        %mul3A_318 = arith.mulf %gather3A_65, %get3A_317 : vector<16xf32>
        %add3A_319 = arith.addf %add3A_311, %mul3A_318 : vector<16xf32>
        %swap3A_320 = arith.index_cast %scan3A_35 : i32 to index
        %swap3A_321 = arith.constant 144 : index
        %swap3A_322 = tpu.vector_load %arg9[%swap3A_320, %swap3A_321] {strides = array<i32>} : memref<16x512xf32, #tpu.memory_space<vmem>>, vector<1x16xf32>,
        %swap3A_323 = vector.shape_cast %swap3A_322 : vector<1x16xf32> to vector<16xf32>
        %swap3A_324 = vector.shape_cast %add3A_319 : vector<16xf32> to vector<1x16xf32>
        tpu.vector_store %arg9[%swap3A_320, %swap3A_321], %swap3A_324 {strides = array<i32>} : memref<16x512xf32, #tpu.memory_space<vmem>>, vector<1x16xf32>,
        %get3A_325 = arith.index_cast %scan3A_35 : i32 to index
        %get3A_326 = arith.constant 160 : index
        %get3A_327 = tpu.vector_load %arg8[%get3A_325, %get3A_326] {strides = array<i32>} : memref<48x512xf32, #tpu.memory_space<vmem>>, vector<1x16xf32>,
        %get3A_328 = vector.shape_cast %get3A_327 : vector<1x16xf32> to vector<16xf32>
        %mul3A_329 = arith.mulf %gather3A_45, %get3A_328 : vector<16xf32>
        %add3A_330 = arith.constant 16 : i32
        %add3A_331 = arith.addi %add3A_330, %scan3A_35 : i32
        %get3A_332 = arith.index_cast %add3A_331 : i32 to index
        %get3A_333 = arith.constant 160 : index
        %get3A_334 = tpu.vector_load %arg8[%get3A_332, %get3A_333] {strides = array<i32>} : memref<48x512xf32, #tpu.memory_space<vmem>>, vector<1x16xf32>,
        %get3A_335 = vector.shape_cast %get3A_334 : vector<1x16xf32> to vector<16xf32>
        %mul3A_336 = arith.mulf %gather3A_55, %get3A_335 : vector<16xf32>
        %add3A_337 = arith.addf %mul3A_329, %mul3A_336 : vector<16xf32>
        %add3A_338 = arith.constant 32 : i32
        %add3A_339 = arith.addi %add3A_338, %scan3A_35 : i32
        %get3A_340 = arith.index_cast %add3A_339 : i32 to index
        %get3A_341 = arith.constant 160 : index
        %get3A_342 = tpu.vector_load %arg8[%get3A_340, %get3A_341] {strides = array<i32>} : memref<48x512xf32, #tpu.memory_space<vmem>>, vector<1x16xf32>,
        %get3A_343 = vector.shape_cast %get3A_342 : vector<1x16xf32> to vector<16xf32>
        %mul3A_344 = arith.mulf %gather3A_65, %get3A_343 : vector<16xf32>
        %add3A_345 = arith.addf %add3A_337, %mul3A_344 : vector<16xf32>
        %swap3A_346 = arith.index_cast %scan3A_35 : i32 to index
        %swap3A_347 = arith.constant 160 : index
        %swap3A_348 = tpu.vector_load %arg9[%swap3A_346, %swap3A_347] {strides = array<i32>} : memref<16x512xf32, #tpu.memory_space<vmem>>, vector<1x16xf32>,
        %swap3A_349 = vector.shape_cast %swap3A_348 : vector<1x16xf32> to vector<16xf32>
        %swap3A_350 = vector.shape_cast %add3A_345 : vector<16xf32> to vector<1x16xf32>
        tpu.vector_store %arg9[%swap3A_346, %swap3A_347], %swap3A_350 {strides = array<i32>} : memref<16x512xf32, #tpu.memory_space<vmem>>, vector<1x16xf32>,
        %get3A_351 = arith.index_cast %scan3A_35 : i32 to index
        %get3A_352 = arith.constant 176 : index
        %get3A_353 = tpu.vector_load %arg8[%get3A_351, %get3A_352] {strides = array<i32>} : memref<48x512xf32, #tpu.memory_space<vmem>>, vector<1x16xf32>,
        %get3A_354 = vector.shape_cast %get3A_353 : vector<1x16xf32> to vector<16xf32>
        %mul3A_355 = arith.mulf %gather3A_45, %get3A_354 : vector<16xf32>
        %add3A_356 = arith.constant 16 : i32
        %add3A_357 = arith.addi %add3A_356, %scan3A_35 : i32
        %get3A_358 = arith.index_cast %add3A_357 : i32 to index
        %get3A_359 = arith.constant 176 : index
        %get3A_360 = tpu.vector_load %arg8[%get3A_358, %get3A_359] {strides = array<i32>} : memref<48x512xf32, #tpu.memory_space<vmem>>, vector<1x16xf32>,
        %get3A_361 = vector.shape_cast %get3A_360 : vector<1x16xf32> to vector<16xf32>
        %mul3A_362 = arith.mulf %gather3A_55, %get3A_361 : vector<16xf32>
        %add3A_363 = arith.addf %mul3A_355, %mul3A_362 : vector<16xf32>
        %add3A_364 = arith.constant 32 : i32
        %add3A_365 = arith.addi %add3A_364, %scan3A_35 : i32
        %get3A_366 = arith.index_cast %add3A_365 : i32 to index
        %get3A_367 = arith.constant 176 : index
        %get3A_368 = tpu.vector_load %arg8[%get3A_366, %get3A_367] {strides = array<i32>} : memref<48x512xf32, #tpu.memory_space<vmem>>, vector<1x16xf32>,
        %get3A_369 = vector.shape_cast %get3A_368 : vector<1x16xf32> to vector<16xf32>
        %mul3A_370 = arith.mulf %gather3A_65, %get3A_369 : vector<16xf32>
        %add3A_371 = arith.addf %add3A_363, %mul3A_370 : vector<16xf32>
        %swap3A_372 = arith.index_cast %scan3A_35 : i32 to index
        %swap3A_373 = arith.constant 176 : index
        %swap3A_374 = tpu.vector_load %arg9[%swap3A_372, %swap3A_373] {strides = array<i32>} : memref<16x512xf32, #tpu.memory_space<vmem>>, vector<1x16xf32>,
        %swap3A_375 = vector.shape_cast %swap3A_374 : vector<1x16xf32> to vector<16xf32>
        %swap3A_376 = vector.shape_cast %add3A_371 : vector<16xf32> to vector<1x16xf32>
        tpu.vector_store %arg9[%swap3A_372, %swap3A_373], %swap3A_376 {strides = array<i32>} : memref<16x512xf32, #tpu.memory_space<vmem>>, vector<1x16xf32>,
        %get3A_377 = arith.index_cast %scan3A_35 : i32 to index
        %get3A_378 = arith.constant 192 : index
        %get3A_379 = tpu.vector_load %arg8[%get3A_377, %get3A_378] {strides = array<i32>} : memref<48x512xf32, #tpu.memory_space<vmem>>, vector<1x16xf32>,
        %get3A_380 = vector.shape_cast %get3A_379 : vector<1x16xf32> to vector<16xf32>
        %mul3A_381 = arith.mulf %gather3A_45, %get3A_380 : vector<16xf32>
        %add3A_382 = arith.constant 16 : i32
        %add3A_383 = arith.addi %add3A_382, %scan3A_35 : i32
        %get3A_384 = arith.index_cast %add3A_383 : i32 to index
        %get3A_385 = arith.constant 192 : index
        %get3A_386 = tpu.vector_load %arg8[%get3A_384, %get3A_385] {strides = array<i32>} : memref<48x512xf32, #tpu.memory_space<vmem>>, vector<1x16xf32>,
        %get3A_387 = vector.shape_cast %get3A_386 : vector<1x16xf32> to vector<16xf32>
        %mul3A_388 = arith.mulf %gather3A_55, %get3A_387 : vector<16xf32>
        %add3A_389 = arith.addf %mul3A_381, %mul3A_388 : vector<16xf32>
        %add3A_390 = arith.constant 32 : i32
        %add3A_391 = arith.addi %add3A_390, %scan3A_35 : i32
        %get3A_392 = arith.index_cast %add3A_391 : i32 to index
        %get3A_393 = arith.constant 192 : index
        %get3A_394 = tpu.vector_load %arg8[%get3A_392, %get3A_393] {strides = array<i32>} : memref<48x512xf32, #tpu.memory_space<vmem>>, vector<1x16xf32>,
        %get3A_395 = vector.shape_cast %get3A_394 : vector<1x16xf32> to vector<16xf32>
        %mul3A_396 = arith.mulf %gather3A_65, %get3A_395 : vector<16xf32>
        %add3A_397 = arith.addf %add3A_389, %mul3A_396 : vector<16xf32>
        %swap3A_398 = arith.index_cast %scan3A_35 : i32 to index
        %swap3A_399 = arith.constant 192 : index
        %swap3A_400 = tpu.vector_load %arg9[%swap3A_398, %swap3A_399] {strides = array<i32>} : memref<16x512xf32, #tpu.memory_space<vmem>>, vector<1x16xf32>,
        %swap3A_401 = vector.shape_cast %swap3A_400 : vector<1x16xf32> to vector<16xf32>
        %swap3A_402 = vector.shape_cast %add3A_397 : vector<16xf32> to vector<1x16xf32>
        tpu.vector_store %arg9[%swap3A_398, %swap3A_399], %swap3A_402 {strides = array<i32>} : memref<16x512xf32, #tpu.memory_space<vmem>>, vector<1x16xf32>,
        %get3A_403 = arith.index_cast %scan3A_35 : i32 to index
        %get3A_404 = arith.constant 208 : index
        %get3A_405 = tpu.vector_load %arg8[%get3A_403, %get3A_404] {strides = array<i32>} : memref<48x512xf32, #tpu.memory_space<vmem>>, vector<1x16xf32>,
        %get3A_406 = vector.shape_cast %get3A_405 : vector<1x16xf32> to vector<16xf32>
        %mul3A_407 = arith.mulf %gather3A_45, %get3A_406 : vector<16xf32>
        %add3A_408 = arith.constant 16 : i32
        %add3A_409 = arith.addi %add3A_408, %scan3A_35 : i32
        %get3A_410 = arith.index_cast %add3A_409 : i32 to index
        %get3A_411 = arith.constant 208 : index
        %get3A_412 = tpu.vector_load %arg8[%get3A_410, %get3A_411] {strides = array<i32>} : memref<48x512xf32, #tpu.memory_space<vmem>>, vector<1x16xf32>,
        %get3A_413 = vector.shape_cast %get3A_412 : vector<1x16xf32> to vector<16xf32>
        %mul3A_414 = arith.mulf %gather3A_55, %get3A_413 : vector<16xf32>
        %add3A_415 = arith.addf %mul3A_407, %mul3A_414 : vector<16xf32>
        %add3A_416 = arith.constant 32 : i32
        %add3A_417 = arith.addi %add3A_416, %scan3A_35 : i32
        %get3A_418 = arith.index_cast %add3A_417 : i32 to index
        %get3A_419 = arith.constant 208 : index
        %get3A_420 = tpu.vector_load %arg8[%get3A_418, %get3A_419] {strides = array<i32>} : memref<48x512xf32, #tpu.memory_space<vmem>>, vector<1x16xf32>,
        %get3A_421 = vector.shape_cast %get3A_420 : vector<1x16xf32> to vector<16xf32>
        %mul3A_422 = arith.mulf %gather3A_65, %get3A_421 : vector<16xf32>
        %add3A_423 = arith.addf %add3A_415, %mul3A_422 : vector<16xf32>
        %swap3A_424 = arith.index_cast %scan3A_35 : i32 to index
        %swap3A_425 = arith.constant 208 : index
        %swap3A_426 = tpu.vector_load %arg9[%swap3A_424, %swap3A_425] {strides = array<i32>} : memref<16x512xf32, #tpu.memory_space<vmem>>, vector<1x16xf32>,
        %swap3A_427 = vector.shape_cast %swap3A_426 : vector<1x16xf32> to vector<16xf32>
        %swap3A_428 = vector.shape_cast %add3A_423 : vector<16xf32> to vector<1x16xf32>
        tpu.vector_store %arg9[%swap3A_424, %swap3A_425], %swap3A_428 {strides = array<i32>} : memref<16x512xf32, #tpu.memory_space<vmem>>, vector<1x16xf32>,
        %get3A_429 = arith.index_cast %scan3A_35 : i32 to index
        %get3A_430 = arith.constant 224 : index
        %get3A_431 = tpu.vector_load %arg8[%get3A_429, %get3A_430] {strides = array<i32>} : memref<48x512xf32, #tpu.memory_space<vmem>>, vector<1x16xf32>,
        %get3A_432 = vector.shape_cast %get3A_431 : vector<1x16xf32> to vector<16xf32>
        %mul3A_433 = arith.mulf %gather3A_45, %get3A_432 : vector<16xf32>
        %add3A_434 = arith.constant 16 : i32
        %add3A_435 = arith.addi %add3A_434, %scan3A_35 : i32
        %get3A_436 = arith.index_cast %add3A_435 : i32 to index
        %get3A_437 = arith.constant 224 : index
        %get3A_438 = tpu.vector_load %arg8[%get3A_436, %get3A_437] {strides = array<i32>} : memref<48x512xf32, #tpu.memory_space<vmem>>, vector<1x16xf32>,
        %get3A_439 = vector.shape_cast %get3A_438 : vector<1x16xf32> to vector<16xf32>
        %mul3A_440 = arith.mulf %gather3A_55, %get3A_439 : vector<16xf32>
        %add3A_441 = arith.addf %mul3A_433, %mul3A_440 : vector<16xf32>
        %add3A_442 = arith.constant 32 : i32
        %add3A_443 = arith.addi %add3A_442, %scan3A_35 : i32
        %get3A_444 = arith.index_cast %add3A_443 : i32 to index
        %get3A_445 = arith.constant 224 : index
        %get3A_446 = tpu.vector_load %arg8[%get3A_444, %get3A_445] {strides = array<i32>} : memref<48x512xf32, #tpu.memory_space<vmem>>, vector<1x16xf32>,
        %get3A_447 = vector.shape_cast %get3A_446 : vector<1x16xf32> to vector<16xf32>
        %mul3A_448 = arith.mulf %gather3A_65, %get3A_447 : vector<16xf32>
        %add3A_449 = arith.addf %add3A_441, %mul3A_448 : vector<16xf32>
        %swap3A_450 = arith.index_cast %scan3A_35 : i32 to index
        %swap3A_451 = arith.constant 224 : index
        %swap3A_452 = tpu.vector_load %arg9[%swap3A_450, %swap3A_451] {strides = array<i32>} : memref<16x512xf32, #tpu.memory_space<vmem>>, vector<1x16xf32>,
        %swap3A_453 = vector.shape_cast %swap3A_452 : vector<1x16xf32> to vector<16xf32>
        %swap3A_454 = vector.shape_cast %add3A_449 : vector<16xf32> to vector<1x16xf32>
        tpu.vector_store %arg9[%swap3A_450, %swap3A_451], %swap3A_454 {strides = array<i32>} : memref<16x512xf32, #tpu.memory_space<vmem>>, vector<1x16xf32>,
        %get3A_455 = arith.index_cast %scan3A_35 : i32 to index
        %get3A_456 = arith.constant 240 : index
        %get3A_457 = tpu.vector_load %arg8[%get3A_455, %get3A_456] {strides = array<i32>} : memref<48x512xf32, #tpu.memory_space<vmem>>, vector<1x16xf32>,
        %get3A_458 = vector.shape_cast %get3A_457 : vector<1x16xf32> to vector<16xf32>
        %mul3A_459 = arith.mulf %gather3A_45, %get3A_458 : vector<16xf32>
        %add3A_460 = arith.constant 16 : i32
        %add3A_461 = arith.addi %add3A_460, %scan3A_35 : i32
        %get3A_462 = arith.index_cast %add3A_461 : i32 to index
        %get3A_463 = arith.constant 240 : index
        %get3A_464 = tpu.vector_load %arg8[%get3A_462, %get3A_463] {strides = array<i32>} : memref<48x512xf32, #tpu.memory_space<vmem>>, vector<1x16xf32>,
        %get3A_465 = vector.shape_cast %get3A_464 : vector<1x16xf32> to vector<16xf32>
        %mul3A_466 = arith.mulf %gather3A_55, %get3A_465 : vector<16xf32>
        %add3A_467 = arith.addf %mul3A_459, %mul3A_466 : vector<16xf32>
        %add3A_468 = arith.constant 32 : i32
        %add3A_469 = arith.addi %add3A_468, %scan3A_35 : i32
        %get3A_470 = arith.index_cast %add3A_469 : i32 to index
        %get3A_471 = arith.constant 240 : index
        %get3A_472 = tpu.vector_load %arg8[%get3A_470, %get3A_471] {strides = array<i32>} : memref<48x512xf32, #tpu.memory_space<vmem>>, vector<1x16xf32>,
        %get3A_473 = vector.shape_cast %get3A_472 : vector<1x16xf32> to vector<16xf32>
        %mul3A_474 = arith.mulf %gather3A_65, %get3A_473 : vector<16xf32>
        %add3A_475 = arith.addf %add3A_467, %mul3A_474 : vector<16xf32>
        %swap3A_476 = arith.index_cast %scan3A_35 : i32 to index
        %swap3A_477 = arith.constant 240 : index
        %swap3A_478 = tpu.vector_load %arg9[%swap3A_476, %swap3A_477] {strides = array<i32>} : memref<16x512xf32, #tpu.memory_space<vmem>>, vector<1x16xf32>,
        %swap3A_479 = vector.shape_cast %swap3A_478 : vector<1x16xf32> to vector<16xf32>
        %swap3A_480 = vector.shape_cast %add3A_475 : vector<16xf32> to vector<1x16xf32>
        tpu.vector_store %arg9[%swap3A_476, %swap3A_477], %swap3A_480 {strides = array<i32>} : memref<16x512xf32, #tpu.memory_space<vmem>>, vector<1x16xf32>,
        %get3A_481 = arith.index_cast %scan3A_35 : i32 to index
        %get3A_482 = arith.constant 256 : index
        %get3A_483 = tpu.vector_load %arg8[%get3A_481, %get3A_482] {strides = array<i32>} : memref<48x512xf32, #tpu.memory_space<vmem>>, vector<1x16xf32>,
        %get3A_484 = vector.shape_cast %get3A_483 : vector<1x16xf32> to vector<16xf32>
        %mul3A_485 = arith.mulf %gather3A_45, %get3A_484 : vector<16xf32>
        %add3A_486 = arith.constant 16 : i32
        %add3A_487 = arith.addi %add3A_486, %scan3A_35 : i32
        %get3A_488 = arith.index_cast %add3A_487 : i32 to index
        %get3A_489 = arith.constant 256 : index
        %get3A_490 = tpu.vector_load %arg8[%get3A_488, %get3A_489] {strides = array<i32>} : memref<48x512xf32, #tpu.memory_space<vmem>>, vector<1x16xf32>,
        %get3A_491 = vector.shape_cast %get3A_490 : vector<1x16xf32> to vector<16xf32>
        %mul3A_492 = arith.mulf %gather3A_55, %get3A_491 : vector<16xf32>
        %add3A_493 = arith.addf %mul3A_485, %mul3A_492 : vector<16xf32>
        %add3A_494 = arith.constant 32 : i32
        %add3A_495 = arith.addi %add3A_494, %scan3A_35 : i32
        %get3A_496 = arith.index_cast %add3A_495 : i32 to index
        %get3A_497 = arith.constant 256 : index
        %get3A_498 = tpu.vector_load %arg8[%get3A_496, %get3A_497] {strides = array<i32>} : memref<48x512xf32, #tpu.memory_space<vmem>>, vector<1x16xf32>,
        %get3A_499 = vector.shape_cast %get3A_498 : vector<1x16xf32> to vector<16xf32>
        %mul3A_500 = arith.mulf %gather3A_65, %get3A_499 : vector<16xf32>
        %add3A_501 = arith.addf %add3A_493, %mul3A_500 : vector<16xf32>
        %swap3A_502 = arith.index_cast %scan3A_35 : i32 to index
        %swap3A_503 = arith.constant 256 : index
        %swap3A_504 = tpu.vector_load %arg9[%swap3A_502, %swap3A_503] {strides = array<i32>} : memref<16x512xf32, #tpu.memory_space<vmem>>, vector<1x16xf32>,
        %swap3A_505 = vector.shape_cast %swap3A_504 : vector<1x16xf32> to vector<16xf32>
        %swap3A_506 = vector.shape_cast %add3A_501 : vector<16xf32> to vector<1x16xf32>
        tpu.vector_store %arg9[%swap3A_502, %swap3A_503], %swap3A_506 {strides = array<i32>} : memref<16x512xf32, #tpu.memory_space<vmem>>, vector<1x16xf32>,
        %get3A_507 = arith.index_cast %scan3A_35 : i32 to index
        %get3A_508 = arith.constant 272 : index
        %get3A_509 = tpu.vector_load %arg8[%get3A_507, %get3A_508] {strides = array<i32>} : memref<48x512xf32, #tpu.memory_space<vmem>>, vector<1x16xf32>,
        %get3A_510 = vector.shape_cast %get3A_509 : vector<1x16xf32> to vector<16xf32>
        %mul3A_511 = arith.mulf %gather3A_45, %get3A_510 : vector<16xf32>
        %add3A_512 = arith.constant 16 : i32
        %add3A_513 = arith.addi %add3A_512, %scan3A_35 : i32
        %get3A_514 = arith.index_cast %add3A_513 : i32 to index
        %get3A_515 = arith.constant 272 : index
        %get3A_516 = tpu.vector_load %arg8[%get3A_514, %get3A_515] {strides = array<i32>} : memref<48x512xf32, #tpu.memory_space<vmem>>, vector<1x16xf32>,
        %get3A_517 = vector.shape_cast %get3A_516 : vector<1x16xf32> to vector<16xf32>
        %mul3A_518 = arith.mulf %gather3A_55, %get3A_517 : vector<16xf32>
        %add3A_519 = arith.addf %mul3A_511, %mul3A_518 : vector<16xf32>
        %add3A_520 = arith.constant 32 : i32
        %add3A_521 = arith.addi %add3A_520, %scan3A_35 : i32
        %get3A_522 = arith.index_cast %add3A_521 : i32 to index
        %get3A_523 = arith.constant 272 : index
        %get3A_524 = tpu.vector_load %arg8[%get3A_522, %get3A_523] {strides = array<i32>} : memref<48x512xf32, #tpu.memory_space<vmem>>, vector<1x16xf32>,
        %get3A_525 = vector.shape_cast %get3A_524 : vector<1x16xf32> to vector<16xf32>
        %mul3A_526 = arith.mulf %gather3A_65, %get3A_525 : vector<16xf32>
        %add3A_527 = arith.addf %add3A_519, %mul3A_526 : vector<16xf32>
        %swap3A_528 = arith.index_cast %scan3A_35 : i32 to index
        %swap3A_529 = arith.constant 272 : index
        %swap3A_530 = tpu.vector_load %arg9[%swap3A_528, %swap3A_529] {strides = array<i32>} : memref<16x512xf32, #tpu.memory_space<vmem>>, vector<1x16xf32>,
        %swap3A_531 = vector.shape_cast %swap3A_530 : vector<1x16xf32> to vector<16xf32>
        %swap3A_532 = vector.shape_cast %add3A_527 : vector<16xf32> to vector<1x16xf32>
        tpu.vector_store %arg9[%swap3A_528, %swap3A_529], %swap3A_532 {strides = array<i32>} : memref<16x512xf32, #tpu.memory_space<vmem>>, vector<1x16xf32>,
        %get3A_533 = arith.index_cast %scan3A_35 : i32 to index
        %get3A_534 = arith.constant 288 : index
        %get3A_535 = tpu.vector_load %arg8[%get3A_533, %get3A_534] {strides = array<i32>} : memref<48x512xf32, #tpu.memory_space<vmem>>, vector<1x16xf32>,
        %get3A_536 = vector.shape_cast %get3A_535 : vector<1x16xf32> to vector<16xf32>
        %mul3A_537 = arith.mulf %gather3A_45, %get3A_536 : vector<16xf32>
        %add3A_538 = arith.constant 16 : i32
        %add3A_539 = arith.addi %add3A_538, %scan3A_35 : i32
        %get3A_540 = arith.index_cast %add3A_539 : i32 to index
        %get3A_541 = arith.constant 288 : index
        %get3A_542 = tpu.vector_load %arg8[%get3A_540, %get3A_541] {strides = array<i32>} : memref<48x512xf32, #tpu.memory_space<vmem>>, vector<1x16xf32>,
        %get3A_543 = vector.shape_cast %get3A_542 : vector<1x16xf32> to vector<16xf32>
        %mul3A_544 = arith.mulf %gather3A_55, %get3A_543 : vector<16xf32>
        %add3A_545 = arith.addf %mul3A_537, %mul3A_544 : vector<16xf32>
        %add3A_546 = arith.constant 32 : i32
        %add3A_547 = arith.addi %add3A_546, %scan3A_35 : i32
        %get3A_548 = arith.index_cast %add3A_547 : i32 to index
        %get3A_549 = arith.constant 288 : index
        %get3A_550 = tpu.vector_load %arg8[%get3A_548, %get3A_549] {strides = array<i32>} : memref<48x512xf32, #tpu.memory_space<vmem>>, vector<1x16xf32>,
        %get3A_551 = vector.shape_cast %get3A_550 : vector<1x16xf32> to vector<16xf32>
        %mul3A_552 = arith.mulf %gather3A_65, %get3A_551 : vector<16xf32>
        %add3A_553 = arith.addf %add3A_545, %mul3A_552 : vector<16xf32>
        %swap3A_554 = arith.index_cast %scan3A_35 : i32 to index
        %swap3A_555 = arith.constant 288 : index
        %swap3A_556 = tpu.vector_load %arg9[%swap3A_554, %swap3A_555] {strides = array<i32>} : memref<16x512xf32, #tpu.memory_space<vmem>>, vector<1x16xf32>,
        %swap3A_557 = vector.shape_cast %swap3A_556 : vector<1x16xf32> to vector<16xf32>
        %swap3A_558 = vector.shape_cast %add3A_553 : vector<16xf32> to vector<1x16xf32>
        tpu.vector_store %arg9[%swap3A_554, %swap3A_555], %swap3A_558 {strides = array<i32>} : memref<16x512xf32, #tpu.memory_space<vmem>>, vector<1x16xf32>,
        %get3A_559 = arith.index_cast %scan3A_35 : i32 to index
        %get3A_560 = arith.constant 304 : index
        %get3A_561 = tpu.vector_load %arg8[%get3A_559, %get3A_560] {strides = array<i32>} : memref<48x512xf32, #tpu.memory_space<vmem>>, vector<1x16xf32>,
        %get3A_562 = vector.shape_cast %get3A_561 : vector<1x16xf32> to vector<16xf32>
        %mul3A_563 = arith.mulf %gather3A_45, %get3A_562 : vector<16xf32>
        %add3A_564 = arith.constant 16 : i32
        %add3A_565 = arith.addi %add3A_564, %scan3A_35 : i32
        %get3A_566 = arith.index_cast %add3A_565 : i32 to index
        %get3A_567 = arith.constant 304 : index
        %get3A_568 = tpu.vector_load %arg8[%get3A_566, %get3A_567] {strides = array<i32>} : memref<48x512xf32, #tpu.memory_space<vmem>>, vector<1x16xf32>,
        %get3A_569 = vector.shape_cast %get3A_568 : vector<1x16xf32> to vector<16xf32>
        %mul3A_570 = arith.mulf %gather3A_55, %get3A_569 : vector<16xf32>
        %add3A_571 = arith.addf %mul3A_563, %mul3A_570 : vector<16xf32>
        %add3A_572 = arith.constant 32 : i32
        %add3A_573 = arith.addi %add3A_572, %scan3A_35 : i32
        %get3A_574 = arith.index_cast %add3A_573 : i32 to index
        %get3A_575 = arith.constant 304 : index
        %get3A_576 = tpu.vector_load %arg8[%get3A_574, %get3A_575] {strides = array<i32>} : memref<48x512xf32, #tpu.memory_space<vmem>>, vector<1x16xf32>,
        %get3A_577 = vector.shape_cast %get3A_576 : vector<1x16xf32> to vector<16xf32>
        %mul3A_578 = arith.mulf %gather3A_65, %get3A_577 : vector<16xf32>
        %add3A_579 = arith.addf %add3A_571, %mul3A_578 : vector<16xf32>
        %swap3A_580 = arith.index_cast %scan3A_35 : i32 to index
        %swap3A_581 = arith.constant 304 : index
        %swap3A_582 = tpu.vector_load %arg9[%swap3A_580, %swap3A_581] {strides = array<i32>} : memref<16x512xf32, #tpu.memory_space<vmem>>, vector<1x16xf32>,
        %swap3A_583 = vector.shape_cast %swap3A_582 : vector<1x16xf32> to vector<16xf32>
        %swap3A_584 = vector.shape_cast %add3A_579 : vector<16xf32> to vector<1x16xf32>
        tpu.vector_store %arg9[%swap3A_580, %swap3A_581], %swap3A_584 {strides = array<i32>} : memref<16x512xf32, #tpu.memory_space<vmem>>, vector<1x16xf32>,
        %get3A_585 = arith.index_cast %scan3A_35 : i32 to index
        %get3A_586 = arith.constant 320 : index
        %get3A_587 = tpu.vector_load %arg8[%get3A_585, %get3A_586] {strides = array<i32>} : memref<48x512xf32, #tpu.memory_space<vmem>>, vector<1x16xf32>,
        %get3A_588 = vector.shape_cast %get3A_587 : vector<1x16xf32> to vector<16xf32>
        %mul3A_589 = arith.mulf %gather3A_45, %get3A_588 : vector<16xf32>
        %add3A_590 = arith.constant 16 : i32
        %add3A_591 = arith.addi %add3A_590, %scan3A_35 : i32
        %get3A_592 = arith.index_cast %add3A_591 : i32 to index
        %get3A_593 = arith.constant 320 : index
        %get3A_594 = tpu.vector_load %arg8[%get3A_592, %get3A_593] {strides = array<i32>} : memref<48x512xf32, #tpu.memory_space<vmem>>, vector<1x16xf32>,
        %get3A_595 = vector.shape_cast %get3A_594 : vector<1x16xf32> to vector<16xf32>
        %mul3A_596 = arith.mulf %gather3A_55, %get3A_595 : vector<16xf32>
        %add3A_597 = arith.addf %mul3A_589, %mul3A_596 : vector<16xf32>
        %add3A_598 = arith.constant 32 : i32
        %add3A_599 = arith.addi %add3A_598, %scan3A_35 : i32
        %get3A_600 = arith.index_cast %add3A_599 : i32 to index
        %get3A_601 = arith.constant 320 : index
        %get3A_602 = tpu.vector_load %arg8[%get3A_600, %get3A_601] {strides = array<i32>} : memref<48x512xf32, #tpu.memory_space<vmem>>, vector<1x16xf32>,
        %get3A_603 = vector.shape_cast %get3A_602 : vector<1x16xf32> to vector<16xf32>
        %mul3A_604 = arith.mulf %gather3A_65, %get3A_603 : vector<16xf32>
        %add3A_605 = arith.addf %add3A_597, %mul3A_604 : vector<16xf32>
        %swap3A_606 = arith.index_cast %scan3A_35 : i32 to index
        %swap3A_607 = arith.constant 320 : index
        %swap3A_608 = tpu.vector_load %arg9[%swap3A_606, %swap3A_607] {strides = array<i32>} : memref<16x512xf32, #tpu.memory_space<vmem>>, vector<1x16xf32>,
        %swap3A_609 = vector.shape_cast %swap3A_608 : vector<1x16xf32> to vector<16xf32>
        %swap3A_610 = vector.shape_cast %add3A_605 : vector<16xf32> to vector<1x16xf32>
        tpu.vector_store %arg9[%swap3A_606, %swap3A_607], %swap3A_610 {strides = array<i32>} : memref<16x512xf32, #tpu.memory_space<vmem>>, vector<1x16xf32>,
        %get3A_611 = arith.index_cast %scan3A_35 : i32 to index
        %get3A_612 = arith.constant 336 : index
        %get3A_613 = tpu.vector_load %arg8[%get3A_611, %get3A_612] {strides = array<i32>} : memref<48x512xf32, #tpu.memory_space<vmem>>, vector<1x16xf32>,
        %get3A_614 = vector.shape_cast %get3A_613 : vector<1x16xf32> to vector<16xf32>
        %mul3A_615 = arith.mulf %gather3A_45, %get3A_614 : vector<16xf32>
        %add3A_616 = arith.constant 16 : i32
        %add3A_617 = arith.addi %add3A_616, %scan3A_35 : i32
        %get3A_618 = arith.index_cast %add3A_617 : i32 to index
        %get3A_619 = arith.constant 336 : index
        %get3A_620 = tpu.vector_load %arg8[%get3A_618, %get3A_619] {strides = array<i32>} : memref<48x512xf32, #tpu.memory_space<vmem>>, vector<1x16xf32>,
        %get3A_621 = vector.shape_cast %get3A_620 : vector<1x16xf32> to vector<16xf32>
        %mul3A_622 = arith.mulf %gather3A_55, %get3A_621 : vector<16xf32>
        %add3A_623 = arith.addf %mul3A_615, %mul3A_622 : vector<16xf32>
        %add3A_624 = arith.constant 32 : i32
        %add3A_625 = arith.addi %add3A_624, %scan3A_35 : i32
        %get3A_626 = arith.index_cast %add3A_625 : i32 to index
        %get3A_627 = arith.constant 336 : index
        %get3A_628 = tpu.vector_load %arg8[%get3A_626, %get3A_627] {strides = array<i32>} : memref<48x512xf32, #tpu.memory_space<vmem>>, vector<1x16xf32>,
        %get3A_629 = vector.shape_cast %get3A_628 : vector<1x16xf32> to vector<16xf32>
        %mul3A_630 = arith.mulf %gather3A_65, %get3A_629 : vector<16xf32>
        %add3A_631 = arith.addf %add3A_623, %mul3A_630 : vector<16xf32>
        %swap3A_632 = arith.index_cast %scan3A_35 : i32 to index
        %swap3A_633 = arith.constant 336 : index
        %swap3A_634 = tpu.vector_load %arg9[%swap3A_632, %swap3A_633] {strides = array<i32>} : memref<16x512xf32, #tpu.memory_space<vmem>>, vector<1x16xf32>,
        %swap3A_635 = vector.shape_cast %swap3A_634 : vector<1x16xf32> to vector<16xf32>
        %swap3A_636 = vector.shape_cast %add3A_631 : vector<16xf32> to vector<1x16xf32>
        tpu.vector_store %arg9[%swap3A_632, %swap3A_633], %swap3A_636 {strides = array<i32>} : memref<16x512xf32, #tpu.memory_space<vmem>>, vector<1x16xf32>,
        %get3A_637 = arith.index_cast %scan3A_35 : i32 to index
        %get3A_638 = arith.constant 352 : index
        %get3A_639 = tpu.vector_load %arg8[%get3A_637, %get3A_638] {strides = array<i32>} : memref<48x512xf32, #tpu.memory_space<vmem>>, vector<1x16xf32>,
        %get3A_640 = vector.shape_cast %get3A_639 : vector<1x16xf32> to vector<16xf32>
        %mul3A_641 = arith.mulf %gather3A_45, %get3A_640 : vector<16xf32>
        %add3A_642 = arith.constant 16 : i32
        %add3A_643 = arith.addi %add3A_642, %scan3A_35 : i32
        %get3A_644 = arith.index_cast %add3A_643 : i32 to index
        %get3A_645 = arith.constant 352 : index
        %get3A_646 = tpu.vector_load %arg8[%get3A_644, %get3A_645] {strides = array<i32>} : memref<48x512xf32, #tpu.memory_space<vmem>>, vector<1x16xf32>,
        %get3A_647 = vector.shape_cast %get3A_646 : vector<1x16xf32> to vector<16xf32>
        %mul3A_648 = arith.mulf %gather3A_55, %get3A_647 : vector<16xf32>
        %add3A_649 = arith.addf %mul3A_641, %mul3A_648 : vector<16xf32>
        %add3A_650 = arith.constant 32 : i32
        %add3A_651 = arith.addi %add3A_650, %scan3A_35 : i32
        %get3A_652 = arith.index_cast %add3A_651 : i32 to index
        %get3A_653 = arith.constant 352 : index
        %get3A_654 = tpu.vector_load %arg8[%get3A_652, %get3A_653] {strides = array<i32>} : memref<48x512xf32, #tpu.memory_space<vmem>>, vector<1x16xf32>,
        %get3A_655 = vector.shape_cast %get3A_654 : vector<1x16xf32> to vector<16xf32>
        %mul3A_656 = arith.mulf %gather3A_65, %get3A_655 : vector<16xf32>
        %add3A_657 = arith.addf %add3A_649, %mul3A_656 : vector<16xf32>
        %swap3A_658 = arith.index_cast %scan3A_35 : i32 to index
        %swap3A_659 = arith.constant 352 : index
        %swap3A_660 = tpu.vector_load %arg9[%swap3A_658, %swap3A_659] {strides = array<i32>} : memref<16x512xf32, #tpu.memory_space<vmem>>, vector<1x16xf32>,
        %swap3A_661 = vector.shape_cast %swap3A_660 : vector<1x16xf32> to vector<16xf32>
        %swap3A_662 = vector.shape_cast %add3A_657 : vector<16xf32> to vector<1x16xf32>
        tpu.vector_store %arg9[%swap3A_658, %swap3A_659], %swap3A_662 {strides = array<i32>} : memref<16x512xf32, #tpu.memory_space<vmem>>, vector<1x16xf32>,
        %get3A_663 = arith.index_cast %scan3A_35 : i32 to index
        %get3A_664 = arith.constant 368 : index
        %get3A_665 = tpu.vector_load %arg8[%get3A_663, %get3A_664] {strides = array<i32>} : memref<48x512xf32, #tpu.memory_space<vmem>>, vector<1x16xf32>,
        %get3A_666 = vector.shape_cast %get3A_665 : vector<1x16xf32> to vector<16xf32>
        %mul3A_667 = arith.mulf %gather3A_45, %get3A_666 : vector<16xf32>
        %add3A_668 = arith.constant 16 : i32
        %add3A_669 = arith.addi %add3A_668, %scan3A_35 : i32
        %get3A_670 = arith.index_cast %add3A_669 : i32 to index
        %get3A_671 = arith.constant 368 : index
        %get3A_672 = tpu.vector_load %arg8[%get3A_670, %get3A_671] {strides = array<i32>} : memref<48x512xf32, #tpu.memory_space<vmem>>, vector<1x16xf32>,
        %get3A_673 = vector.shape_cast %get3A_672 : vector<1x16xf32> to vector<16xf32>
        %mul3A_674 = arith.mulf %gather3A_55, %get3A_673 : vector<16xf32>
        %add3A_675 = arith.addf %mul3A_667, %mul3A_674 : vector<16xf32>
        %add3A_676 = arith.constant 32 : i32
        %add3A_677 = arith.addi %add3A_676, %scan3A_35 : i32
        %get3A_678 = arith.index_cast %add3A_677 : i32 to index
        %get3A_679 = arith.constant 368 : index
        %get3A_680 = tpu.vector_load %arg8[%get3A_678, %get3A_679] {strides = array<i32>} : memref<48x512xf32, #tpu.memory_space<vmem>>, vector<1x16xf32>,
        %get3A_681 = vector.shape_cast %get3A_680 : vector<1x16xf32> to vector<16xf32>
        %mul3A_682 = arith.mulf %gather3A_65, %get3A_681 : vector<16xf32>
        %add3A_683 = arith.addf %add3A_675, %mul3A_682 : vector<16xf32>
        %swap3A_684 = arith.index_cast %scan3A_35 : i32 to index
        %swap3A_685 = arith.constant 368 : index
        %swap3A_686 = tpu.vector_load %arg9[%swap3A_684, %swap3A_685] {strides = array<i32>} : memref<16x512xf32, #tpu.memory_space<vmem>>, vector<1x16xf32>,
        %swap3A_687 = vector.shape_cast %swap3A_686 : vector<1x16xf32> to vector<16xf32>
        %swap3A_688 = vector.shape_cast %add3A_683 : vector<16xf32> to vector<1x16xf32>
        tpu.vector_store %arg9[%swap3A_684, %swap3A_685], %swap3A_688 {strides = array<i32>} : memref<16x512xf32, #tpu.memory_space<vmem>>, vector<1x16xf32>,
        %get3A_689 = arith.index_cast %scan3A_35 : i32 to index
        %get3A_690 = arith.constant 384 : index
        %get3A_691 = tpu.vector_load %arg8[%get3A_689, %get3A_690] {strides = array<i32>} : memref<48x512xf32, #tpu.memory_space<vmem>>, vector<1x16xf32>,
        %get3A_692 = vector.shape_cast %get3A_691 : vector<1x16xf32> to vector<16xf32>
        %mul3A_693 = arith.mulf %gather3A_45, %get3A_692 : vector<16xf32>
        %add3A_694 = arith.constant 16 : i32
        %add3A_695 = arith.addi %add3A_694, %scan3A_35 : i32
        %get3A_696 = arith.index_cast %add3A_695 : i32 to index
        %get3A_697 = arith.constant 384 : index
        %get3A_698 = tpu.vector_load %arg8[%get3A_696, %get3A_697] {strides = array<i32>} : memref<48x512xf32, #tpu.memory_space<vmem>>, vector<1x16xf32>,
        %get3A_699 = vector.shape_cast %get3A_698 : vector<1x16xf32> to vector<16xf32>
        %mul3A_700 = arith.mulf %gather3A_55, %get3A_699 : vector<16xf32>
        %add3A_701 = arith.addf %mul3A_693, %mul3A_700 : vector<16xf32>
        %add3A_702 = arith.constant 32 : i32
        %add3A_703 = arith.addi %add3A_702, %scan3A_35 : i32
        %get3A_704 = arith.index_cast %add3A_703 : i32 to index
        %get3A_705 = arith.constant 384 : index
        %get3A_706 = tpu.vector_load %arg8[%get3A_704, %get3A_705] {strides = array<i32>} : memref<48x512xf32, #tpu.memory_space<vmem>>, vector<1x16xf32>,
        %get3A_707 = vector.shape_cast %get3A_706 : vector<1x16xf32> to vector<16xf32>
        %mul3A_708 = arith.mulf %gather3A_65, %get3A_707 : vector<16xf32>
        %add3A_709 = arith.addf %add3A_701, %mul3A_708 : vector<16xf32>
        %swap3A_710 = arith.index_cast %scan3A_35 : i32 to index
        %swap3A_711 = arith.constant 384 : index
        %swap3A_712 = tpu.vector_load %arg9[%swap3A_710, %swap3A_711] {strides = array<i32>} : memref<16x512xf32, #tpu.memory_space<vmem>>, vector<1x16xf32>,
        %swap3A_713 = vector.shape_cast %swap3A_712 : vector<1x16xf32> to vector<16xf32>
        %swap3A_714 = vector.shape_cast %add3A_709 : vector<16xf32> to vector<1x16xf32>
        tpu.vector_store %arg9[%swap3A_710, %swap3A_711], %swap3A_714 {strides = array<i32>} : memref<16x512xf32, #tpu.memory_space<vmem>>, vector<1x16xf32>,
        %get3A_715 = arith.index_cast %scan3A_35 : i32 to index
        %get3A_716 = arith.constant 400 : index
        %get3A_717 = tpu.vector_load %arg8[%get3A_715, %get3A_716] {strides = array<i32>} : memref<48x512xf32, #tpu.memory_space<vmem>>, vector<1x16xf32>,
        %get3A_718 = vector.shape_cast %get3A_717 : vector<1x16xf32> to vector<16xf32>
        %mul3A_719 = arith.mulf %gather3A_45, %get3A_718 : vector<16xf32>
        %add3A_720 = arith.constant 16 : i32
        %add3A_721 = arith.addi %add3A_720, %scan3A_35 : i32
        %get3A_722 = arith.index_cast %add3A_721 : i32 to index
        %get3A_723 = arith.constant 400 : index
        %get3A_724 = tpu.vector_load %arg8[%get3A_722, %get3A_723] {strides = array<i32>} : memref<48x512xf32, #tpu.memory_space<vmem>>, vector<1x16xf32>,
        %get3A_725 = vector.shape_cast %get3A_724 : vector<1x16xf32> to vector<16xf32>
        %mul3A_726 = arith.mulf %gather3A_55, %get3A_725 : vector<16xf32>
        %add3A_727 = arith.addf %mul3A_719, %mul3A_726 : vector<16xf32>
        %add3A_728 = arith.constant 32 : i32
        %add3A_729 = arith.addi %add3A_728, %scan3A_35 : i32
        %get3A_730 = arith.index_cast %add3A_729 : i32 to index
        %get3A_731 = arith.constant 400 : index
        %get3A_732 = tpu.vector_load %arg8[%get3A_730, %get3A_731] {strides = array<i32>} : memref<48x512xf32, #tpu.memory_space<vmem>>, vector<1x16xf32>,
        %get3A_733 = vector.shape_cast %get3A_732 : vector<1x16xf32> to vector<16xf32>
        %mul3A_734 = arith.mulf %gather3A_65, %get3A_733 : vector<16xf32>
        %add3A_735 = arith.addf %add3A_727, %mul3A_734 : vector<16xf32>
        %swap3A_736 = arith.index_cast %scan3A_35 : i32 to index
        %swap3A_737 = arith.constant 400 : index
        %swap3A_738 = tpu.vector_load %arg9[%swap3A_736, %swap3A_737] {strides = array<i32>} : memref<16x512xf32, #tpu.memory_space<vmem>>, vector<1x16xf32>,
        %swap3A_739 = vector.shape_cast %swap3A_738 : vector<1x16xf32> to vector<16xf32>
        %swap3A_740 = vector.shape_cast %add3A_735 : vector<16xf32> to vector<1x16xf32>
        tpu.vector_store %arg9[%swap3A_736, %swap3A_737], %swap3A_740 {strides = array<i32>} : memref<16x512xf32, #tpu.memory_space<vmem>>, vector<1x16xf32>,
        %get3A_741 = arith.index_cast %scan3A_35 : i32 to index
        %get3A_742 = arith.constant 416 : index
        %get3A_743 = tpu.vector_load %arg8[%get3A_741, %get3A_742] {strides = array<i32>} : memref<48x512xf32, #tpu.memory_space<vmem>>, vector<1x16xf32>,
        %get3A_744 = vector.shape_cast %get3A_743 : vector<1x16xf32> to vector<16xf32>
        %mul3A_745 = arith.mulf %gather3A_45, %get3A_744 : vector<16xf32>
        %add3A_746 = arith.constant 16 : i32
        %add3A_747 = arith.addi %add3A_746, %scan3A_35 : i32
        %get3A_748 = arith.index_cast %add3A_747 : i32 to index
        %get3A_749 = arith.constant 416 : index
        %get3A_750 = tpu.vector_load %arg8[%get3A_748, %get3A_749] {strides = array<i32>} : memref<48x512xf32, #tpu.memory_space<vmem>>, vector<1x16xf32>,
        %get3A_751 = vector.shape_cast %get3A_750 : vector<1x16xf32> to vector<16xf32>
        %mul3A_752 = arith.mulf %gather3A_55, %get3A_751 : vector<16xf32>
        %add3A_753 = arith.addf %mul3A_745, %mul3A_752 : vector<16xf32>
        %add3A_754 = arith.constant 32 : i32
        %add3A_755 = arith.addi %add3A_754, %scan3A_35 : i32
        %get3A_756 = arith.index_cast %add3A_755 : i32 to index
        %get3A_757 = arith.constant 416 : index
        %get3A_758 = tpu.vector_load %arg8[%get3A_756, %get3A_757] {strides = array<i32>} : memref<48x512xf32, #tpu.memory_space<vmem>>, vector<1x16xf32>,
        %get3A_759 = vector.shape_cast %get3A_758 : vector<1x16xf32> to vector<16xf32>
        %mul3A_760 = arith.mulf %gather3A_65, %get3A_759 : vector<16xf32>
        %add3A_761 = arith.addf %add3A_753, %mul3A_760 : vector<16xf32>
        %swap3A_762 = arith.index_cast %scan3A_35 : i32 to index
        %swap3A_763 = arith.constant 416 : index
        %swap3A_764 = tpu.vector_load %arg9[%swap3A_762, %swap3A_763] {strides = array<i32>} : memref<16x512xf32, #tpu.memory_space<vmem>>, vector<1x16xf32>,
        %swap3A_765 = vector.shape_cast %swap3A_764 : vector<1x16xf32> to vector<16xf32>
        %swap3A_766 = vector.shape_cast %add3A_761 : vector<16xf32> to vector<1x16xf32>
        tpu.vector_store %arg9[%swap3A_762, %swap3A_763], %swap3A_766 {strides = array<i32>} : memref<16x512xf32, #tpu.memory_space<vmem>>, vector<1x16xf32>,
        %get3A_767 = arith.index_cast %scan3A_35 : i32 to index
        %get3A_768 = arith.constant 432 : index
        %get3A_769 = tpu.vector_load %arg8[%get3A_767, %get3A_768] {strides = array<i32>} : memref<48x512xf32, #tpu.memory_space<vmem>>, vector<1x16xf32>,
        %get3A_770 = vector.shape_cast %get3A_769 : vector<1x16xf32> to vector<16xf32>
        %mul3A_771 = arith.mulf %gather3A_45, %get3A_770 : vector<16xf32>
        %add3A_772 = arith.constant 16 : i32
        %add3A_773 = arith.addi %add3A_772, %scan3A_35 : i32
        %get3A_774 = arith.index_cast %add3A_773 : i32 to index
        %get3A_775 = arith.constant 432 : index
        %get3A_776 = tpu.vector_load %arg8[%get3A_774, %get3A_775] {strides = array<i32>} : memref<48x512xf32, #tpu.memory_space<vmem>>, vector<1x16xf32>,
        %get3A_777 = vector.shape_cast %get3A_776 : vector<1x16xf32> to vector<16xf32>
        %mul3A_778 = arith.mulf %gather3A_55, %get3A_777 : vector<16xf32>
        %add3A_779 = arith.addf %mul3A_771, %mul3A_778 : vector<16xf32>
        %add3A_780 = arith.constant 32 : i32
        %add3A_781 = arith.addi %add3A_780, %scan3A_35 : i32
        %get3A_782 = arith.index_cast %add3A_781 : i32 to index
        %get3A_783 = arith.constant 432 : index
        %get3A_784 = tpu.vector_load %arg8[%get3A_782, %get3A_783] {strides = array<i32>} : memref<48x512xf32, #tpu.memory_space<vmem>>, vector<1x16xf32>,
        %get3A_785 = vector.shape_cast %get3A_784 : vector<1x16xf32> to vector<16xf32>
        %mul3A_786 = arith.mulf %gather3A_65, %get3A_785 : vector<16xf32>
        %add3A_787 = arith.addf %add3A_779, %mul3A_786 : vector<16xf32>
        %swap3A_788 = arith.index_cast %scan3A_35 : i32 to index
        %swap3A_789 = arith.constant 432 : index
        %swap3A_790 = tpu.vector_load %arg9[%swap3A_788, %swap3A_789] {strides = array<i32>} : memref<16x512xf32, #tpu.memory_space<vmem>>, vector<1x16xf32>,
        %swap3A_791 = vector.shape_cast %swap3A_790 : vector<1x16xf32> to vector<16xf32>
        %swap3A_792 = vector.shape_cast %add3A_787 : vector<16xf32> to vector<1x16xf32>
        tpu.vector_store %arg9[%swap3A_788, %swap3A_789], %swap3A_792 {strides = array<i32>} : memref<16x512xf32, #tpu.memory_space<vmem>>, vector<1x16xf32>,
        %get3A_793 = arith.index_cast %scan3A_35 : i32 to index
        %get3A_794 = arith.constant 448 : index
        %get3A_795 = tpu.vector_load %arg8[%get3A_793, %get3A_794] {strides = array<i32>} : memref<48x512xf32, #tpu.memory_space<vmem>>, vector<1x16xf32>,
        %get3A_796 = vector.shape_cast %get3A_795 : vector<1x16xf32> to vector<16xf32>
        %mul3A_797 = arith.mulf %gather3A_45, %get3A_796 : vector<16xf32>
        %add3A_798 = arith.constant 16 : i32
        %add3A_799 = arith.addi %add3A_798, %scan3A_35 : i32
        %get3A_800 = arith.index_cast %add3A_799 : i32 to index
        %get3A_801 = arith.constant 448 : index
        %get3A_802 = tpu.vector_load %arg8[%get3A_800, %get3A_801] {strides = array<i32>} : memref<48x512xf32, #tpu.memory_space<vmem>>, vector<1x16xf32>,
        %get3A_803 = vector.shape_cast %get3A_802 : vector<1x16xf32> to vector<16xf32>
        %mul3A_804 = arith.mulf %gather3A_55, %get3A_803 : vector<16xf32>
        %add3A_805 = arith.addf %mul3A_797, %mul3A_804 : vector<16xf32>
        %add3A_806 = arith.constant 32 : i32
        %add3A_807 = arith.addi %add3A_806, %scan3A_35 : i32
        %get3A_808 = arith.index_cast %add3A_807 : i32 to index
        %get3A_809 = arith.constant 448 : index
        %get3A_810 = tpu.vector_load %arg8[%get3A_808, %get3A_809] {strides = array<i32>} : memref<48x512xf32, #tpu.memory_space<vmem>>, vector<1x16xf32>,
        %get3A_811 = vector.shape_cast %get3A_810 : vector<1x16xf32> to vector<16xf32>
        %mul3A_812 = arith.mulf %gather3A_65, %get3A_811 : vector<16xf32>
        %add3A_813 = arith.addf %add3A_805, %mul3A_812 : vector<16xf32>
        %swap3A_814 = arith.index_cast %scan3A_35 : i32 to index
        %swap3A_815 = arith.constant 448 : index
        %swap3A_816 = tpu.vector_load %arg9[%swap3A_814, %swap3A_815] {strides = array<i32>} : memref<16x512xf32, #tpu.memory_space<vmem>>, vector<1x16xf32>,
        %swap3A_817 = vector.shape_cast %swap3A_816 : vector<1x16xf32> to vector<16xf32>
        %swap3A_818 = vector.shape_cast %add3A_813 : vector<16xf32> to vector<1x16xf32>
        tpu.vector_store %arg9[%swap3A_814, %swap3A_815], %swap3A_818 {strides = array<i32>} : memref<16x512xf32, #tpu.memory_space<vmem>>, vector<1x16xf32>,
        %get3A_819 = arith.index_cast %scan3A_35 : i32 to index
        %get3A_820 = arith.constant 464 : index
        %get3A_821 = tpu.vector_load %arg8[%get3A_819, %get3A_820] {strides = array<i32>} : memref<48x512xf32, #tpu.memory_space<vmem>>, vector<1x16xf32>,
        %get3A_822 = vector.shape_cast %get3A_821 : vector<1x16xf32> to vector<16xf32>
        %mul3A_823 = arith.mulf %gather3A_45, %get3A_822 : vector<16xf32>
        %add3A_824 = arith.constant 16 : i32
        %add3A_825 = arith.addi %add3A_824, %scan3A_35 : i32
        %get3A_826 = arith.index_cast %add3A_825 : i32 to index
        %get3A_827 = arith.constant 464 : index
        %get3A_828 = tpu.vector_load %arg8[%get3A_826, %get3A_827] {strides = array<i32>} : memref<48x512xf32, #tpu.memory_space<vmem>>, vector<1x16xf32>,
        %get3A_829 = vector.shape_cast %get3A_828 : vector<1x16xf32> to vector<16xf32>
        %mul3A_830 = arith.mulf %gather3A_55, %get3A_829 : vector<16xf32>
        %add3A_831 = arith.addf %mul3A_823, %mul3A_830 : vector<16xf32>
        %add3A_832 = arith.constant 32 : i32
        %add3A_833 = arith.addi %add3A_832, %scan3A_35 : i32
        %get3A_834 = arith.index_cast %add3A_833 : i32 to index
        %get3A_835 = arith.constant 464 : index
        %get3A_836 = tpu.vector_load %arg8[%get3A_834, %get3A_835] {strides = array<i32>} : memref<48x512xf32, #tpu.memory_space<vmem>>, vector<1x16xf32>,
        %get3A_837 = vector.shape_cast %get3A_836 : vector<1x16xf32> to vector<16xf32>
        %mul3A_838 = arith.mulf %gather3A_65, %get3A_837 : vector<16xf32>
        %add3A_839 = arith.addf %add3A_831, %mul3A_838 : vector<16xf32>
        %swap3A_840 = arith.index_cast %scan3A_35 : i32 to index
        %swap3A_841 = arith.constant 464 : index
        %swap3A_842 = tpu.vector_load %arg9[%swap3A_840, %swap3A_841] {strides = array<i32>} : memref<16x512xf32, #tpu.memory_space<vmem>>, vector<1x16xf32>,
        %swap3A_843 = vector.shape_cast %swap3A_842 : vector<1x16xf32> to vector<16xf32>
        %swap3A_844 = vector.shape_cast %add3A_839 : vector<16xf32> to vector<1x16xf32>
        tpu.vector_store %arg9[%swap3A_840, %swap3A_841], %swap3A_844 {strides = array<i32>} : memref<16x512xf32, #tpu.memory_space<vmem>>, vector<1x16xf32>,
        %get3A_845 = arith.index_cast %scan3A_35 : i32 to index
        %get3A_846 = arith.constant 480 : index
        %get3A_847 = tpu.vector_load %arg8[%get3A_845, %get3A_846] {strides = array<i32>} : memref<48x512xf32, #tpu.memory_space<vmem>>, vector<1x16xf32>,
        %get3A_848 = vector.shape_cast %get3A_847 : vector<1x16xf32> to vector<16xf32>
        %mul3A_849 = arith.mulf %gather3A_45, %get3A_848 : vector<16xf32>
        %add3A_850 = arith.constant 16 : i32
        %add3A_851 = arith.addi %add3A_850, %scan3A_35 : i32
        %get3A_852 = arith.index_cast %add3A_851 : i32 to index
        %get3A_853 = arith.constant 480 : index
        %get3A_854 = tpu.vector_load %arg8[%get3A_852, %get3A_853] {strides = array<i32>} : memref<48x512xf32, #tpu.memory_space<vmem>>, vector<1x16xf32>,
        %get3A_855 = vector.shape_cast %get3A_854 : vector<1x16xf32> to vector<16xf32>
        %mul3A_856 = arith.mulf %gather3A_55, %get3A_855 : vector<16xf32>
        %add3A_857 = arith.addf %mul3A_849, %mul3A_856 : vector<16xf32>
        %add3A_858 = arith.constant 32 : i32
        %add3A_859 = arith.addi %add3A_858, %scan3A_35 : i32
        %get3A_860 = arith.index_cast %add3A_859 : i32 to index
        %get3A_861 = arith.constant 480 : index
        %get3A_862 = tpu.vector_load %arg8[%get3A_860, %get3A_861] {strides = array<i32>} : memref<48x512xf32, #tpu.memory_space<vmem>>, vector<1x16xf32>,
        %get3A_863 = vector.shape_cast %get3A_862 : vector<1x16xf32> to vector<16xf32>
        %mul3A_864 = arith.mulf %gather3A_65, %get3A_863 : vector<16xf32>
        %add3A_865 = arith.addf %add3A_857, %mul3A_864 : vector<16xf32>
        %swap3A_866 = arith.index_cast %scan3A_35 : i32 to index
        %swap3A_867 = arith.constant 480 : index
        %swap3A_868 = tpu.vector_load %arg9[%swap3A_866, %swap3A_867] {strides = array<i32>} : memref<16x512xf32, #tpu.memory_space<vmem>>, vector<1x16xf32>,
        %swap3A_869 = vector.shape_cast %swap3A_868 : vector<1x16xf32> to vector<16xf32>
        %swap3A_870 = vector.shape_cast %add3A_865 : vector<16xf32> to vector<1x16xf32>
        tpu.vector_store %arg9[%swap3A_866, %swap3A_867], %swap3A_870 {strides = array<i32>} : memref<16x512xf32, #tpu.memory_space<vmem>>, vector<1x16xf32>,
        %get3A_871 = arith.index_cast %scan3A_35 : i32 to index
        %get3A_872 = arith.constant 496 : index
        %get3A_873 = tpu.vector_load %arg8[%get3A_871, %get3A_872] {strides = array<i32>} : memref<48x512xf32, #tpu.memory_space<vmem>>, vector<1x16xf32>,
        %get3A_874 = vector.shape_cast %get3A_873 : vector<1x16xf32> to vector<16xf32>
        %mul3A_875 = arith.mulf %gather3A_45, %get3A_874 : vector<16xf32>
        %add3A_876 = arith.constant 16 : i32
        %add3A_877 = arith.addi %add3A_876, %scan3A_35 : i32
        %get3A_878 = arith.index_cast %add3A_877 : i32 to index
        %get3A_879 = arith.constant 496 : index
        %get3A_880 = tpu.vector_load %arg8[%get3A_878, %get3A_879] {strides = array<i32>} : memref<48x512xf32, #tpu.memory_space<vmem>>, vector<1x16xf32>,
        %get3A_881 = vector.shape_cast %get3A_880 : vector<1x16xf32> to vector<16xf32>
        %mul3A_882 = arith.mulf %gather3A_55, %get3A_881 : vector<16xf32>
        %add3A_883 = arith.addf %mul3A_875, %mul3A_882 : vector<16xf32>
        %add3A_884 = arith.constant 32 : i32
        %add3A_885 = arith.addi %add3A_884, %scan3A_35 : i32
        %get3A_886 = arith.index_cast %add3A_885 : i32 to index
        %get3A_887 = arith.constant 496 : index
        %get3A_888 = tpu.vector_load %arg8[%get3A_886, %get3A_887] {strides = array<i32>} : memref<48x512xf32, #tpu.memory_space<vmem>>, vector<1x16xf32>,
        %get3A_889 = vector.shape_cast %get3A_888 : vector<1x16xf32> to vector<16xf32>
        %mul3A_890 = arith.mulf %gather3A_65, %get3A_889 : vector<16xf32>
        %add3A_891 = arith.addf %add3A_883, %mul3A_890 : vector<16xf32>
        %swap3A_892 = arith.index_cast %scan3A_35 : i32 to index
        %swap3A_893 = arith.constant 496 : index
        %swap3A_894 = tpu.vector_load %arg9[%swap3A_892, %swap3A_893] {strides = array<i32>} : memref<16x512xf32, #tpu.memory_space<vmem>>, vector<1x16xf32>,
        %swap3A_895 = vector.shape_cast %swap3A_894 : vector<1x16xf32> to vector<16xf32>
        %swap3A_896 = vector.shape_cast %add3A_891 : vector<16xf32> to vector<1x16xf32>
        tpu.vector_store %arg9[%swap3A_892, %swap3A_893], %swap3A_896 {strides = array<i32>} : memref<16x512xf32, #tpu.memory_space<vmem>>, vector<1x16xf32>,
      }
      %scan3A_34 = arith.constant 16 : i32
      "tpu.region"() ({
        %run_scoped3A_35 = tpu.sem_alloc : memref<!tpu.dma_semaphore, #tpu.memory_space<semaphore_mem>>
        %dma_start3A_36 = arith.constant 0 : i32
        %dma_start3A_37 = tpu.memref_slice %arg5[%add3A_11, %dma_start3A_36] : memref<65536x512xf32, #tpu.memory_space<hbm>> -> memref<16x512xf32, #tpu.memory_space<hbm>>
        %dma_start3A_38 = arith.constant 0 : i32
        %dma_start3A_39 = tpu.memref_slice %arg5[%add3A_11, %dma_start3A_38] : memref<65536x512xf32, #tpu.memory_space<hbm>> -> memref<16x512xf32, #tpu.memory_space<hbm>>
        tpu.enqueue_dma source(%arg9 : memref<16x512xf32, #tpu.memory_space<vmem>>) target(%dma_start3A_39 : memref<16x512xf32, #tpu.memory_space<hbm>>) target_semaphore(%run_scoped3A_35 : memref<!tpu.dma_semaphore, #tpu.memory_space<semaphore_mem>>)
        %dma_wait3A_40 = arith.constant 0 : i32
        %dma_wait3A_41 = tpu.memref_slice %arg5[%add3A_11, %dma_wait3A_40] : memref<65536x512xf32, #tpu.memory_space<hbm>> -> memref<16x512xf32, #tpu.memory_space<hbm>>
        %dma_wait3A_42 = arith.constant 0 : i32
        %dma_wait3A_43 = tpu.memref_slice %arg5[%add3A_11, %dma_wait3A_42] : memref<65536x512xf32, #tpu.memory_space<hbm>> -> memref<16x512xf32, #tpu.memory_space<hbm>>
        tpu.wait_dma2 semaphore(%run_scoped3A_35 : memref<!tpu.dma_semaphore, #tpu.memory_space<semaphore_mem>>) src(%arg9 : memref<16x512xf32, #tpu.memory_space<vmem>>) dst(%dma_wait3A_43 : memref<16x512xf32, #tpu.memory_space<hbm>>)
        tpu.yield
      }) : () -> ()
    }
    %scan3A_7 = arith.constant 128 : i32
    return
  }
}

module attributes {stable_mosaic.version = 14 : i64} {
  func.func @_stage0_body(%arg0: i32, %arg1: i32, %arg2: memref<1x1024x3xf32, #tpu.memory_space<vmem>>, %arg3: memref<1x3x512xf32, #tpu.memory_space<vmem>>, %arg4: memref<1x3x512xi32, #tpu.memory_space<vmem>>, %arg5: memref<1x3x512xf32, #tpu.memory_space<vmem>>) attributes {dimension_semantics = [#tpu.dimension_semantics<arbitrary>, #tpu.dimension_semantics<arbitrary>], iteration_bounds = array<i64: 16, 8>, scalar_prefetch = 0 : i64, scratch_operands = 0 : i64, tpu.core_type = #tpu.core_type<tc>, window_params = [{transform_indices = @transform_0, window_bounds = array<i64: 1, 1024, 3>}, {transform_indices = @transform_1, window_bounds = array<i64: 1, 3, 512>}, {transform_indices = @transform_2, window_bounds = array<i64: 1, 3, 512>}, {transform_indices = @transform_3, window_bounds = array<i64: 1, 3, 512>}]} {
    %get3A = arith.constant 0 : index
    %get3A_0 = arith.constant 0 : index
    %get3A_1 = arith.constant 0 : index
    %get3A_2 = vector.load %arg2[%get3A, %get3A_0, %get3A_1] : memref<1x1024x3xf32, #tpu.memory_space<vmem>>, vector<1x1024x3xf32>
    %get3A_3 = vector.shape_cast %get3A_2 : vector<1x1024x3xf32> to vector<1024x3xf32>
    %get3A_4 = arith.constant 0 : index
    %get3A_5 = arith.constant 0 : index
    %get3A_6 = arith.constant 0 : index
    %get3A_7 = vector.load %arg3[%get3A_4, %get3A_5, %get3A_6] : memref<1x3x512xf32, #tpu.memory_space<vmem>>, vector<1x3x512xf32>
    %get3A_8 = vector.shape_cast %get3A_7 : vector<1x3x512xf32> to vector<3x512xf32>
    %mul3A = arith.mulf %get3A_3, %get3A_3 : vector<1024x3xf32>
    %reduce_sum3A = arith.constant dense<0.000000e+00> : vector<1024xf32>
    %reduce_sum3A_9 = vector.multi_reduction <add>, %mul3A, %reduce_sum3A [1] : vector<1024x3xf32> to vector<1024xf32>
    %broadcast_in_dim3A = vector.shape_cast %reduce_sum3A_9 : vector<1024xf32> to vector<1024x1xf32>
    %mul3A_10 = arith.constant 2.500000e-01 : f32
    %mul3A_11 = vector.broadcast %mul3A_10 : f32 to vector<1024x1xf32>
    %mul3A_12 = arith.mulf %mul3A_11, %broadcast_in_dim3A : vector<1024x1xf32>
    %mul3A_13 = arith.mulf %get3A_8, %get3A_8 : vector<3x512xf32>
    %reduce_sum3A_14 = arith.constant dense<0.000000e+00> : vector<512xf32>
    %reduce_sum3A_15 = vector.multi_reduction <add>, %mul3A_13, %reduce_sum3A_14 [0] : vector<3x512xf32> to vector<512xf32>
    %broadcast_in_dim3A_16 = vector.shape_cast %reduce_sum3A_15 : vector<512xf32> to vector<1x512xf32>
    %dot_general3A = arith.constant dense<0.000000e+00> : vector<1024x512xf32>
    %dot_general3A_17 = tpu.matmul %get3A_3, %get3A_8, %dot_general3A {dimension_numbers = #tpu.dot_dimension_numbers<[1], [0], [0], [1], [0, 0, 1, 1], [], []>, transpose_lhs_hint = false} : vector<1024x3xf32>, vector<3x512xf32>, vector<1024x512xf32> -> vector<1024x512xf32>
    %add3A = vector.broadcast %mul3A_12 : vector<1024x1xf32> to vector<1024x512xf32>
    %add3A_18 = vector.broadcast %broadcast_in_dim3A_16 : vector<1x512xf32> to vector<1024x512xf32>
    %add3A_19 = arith.addf %add3A, %add3A_18 : vector<1024x512xf32>
    %add3A_20 = arith.addf %dot_general3A_17, %add3A_19 : vector<1024x512xf32>
    %iota3A = tpu.iota {dimensions = array<i32: 0>} : vector<1024x512xi32>
    %broadcast_in_dim3A_21 = arith.constant 0.000000e+00 : f32
    %broadcast_in_dim3A_22 = vector.broadcast %broadcast_in_dim3A_21 : f32 to vector<1x512xf32>
    %reduce_min3A = arith.constant dense<0x7F800000> : vector<512xf32>
    %reduce_min3A_23 = vector.multi_reduction <minimumf>, %add3A_20, %reduce_min3A [0] : vector<1024x512xf32> to vector<512xf32>
    %broadcast_in_dim3A_24 = vector.shape_cast %reduce_min3A_23 : vector<512xf32> to vector<1x512xf32>
    %eq3A = vector.broadcast %broadcast_in_dim3A_24 : vector<1x512xf32> to vector<1024x512xf32>
    %eq3A_25 = arith.cmpf oeq, %add3A_20, %eq3A : vector<1024x512xf32>
    %jit3A = arith.constant 1024 : i32
    %broadcast_in_dim3A_26 = vector.broadcast %jit3A : i32 to vector<1024x512xi32>
    %select_n3A = arith.select %eq3A_25, %iota3A, %broadcast_in_dim3A_26 : vector<1024x512xi1>, vector<1024x512xi32>
    %reduce_min3A_27 = arith.constant dense<2147483647> : vector<512xi32>
    %reduce_min3A_28 = vector.multi_reduction <minsi>, %select_n3A, %reduce_min3A_27 [0] : vector<1024x512xi32> to vector<512xi32>
    %broadcast_in_dim3A_29 = vector.shape_cast %reduce_min3A_28 : vector<512xi32> to vector<1x512xi32>
    %eq3A_30 = vector.broadcast %broadcast_in_dim3A_29 : vector<1x512xi32> to vector<1024x512xi32>
    %eq3A_31 = arith.cmpi eq, %iota3A, %eq3A_30 : vector<1024x512xi32>
    %jit3A_32 = arith.constant 0x7F800000 : f32
    %broadcast_in_dim3A_33 = vector.broadcast %jit3A_32 : f32 to vector<1024x512xf32>
    %select_n3A_34 = arith.select %eq3A_31, %broadcast_in_dim3A_33, %add3A_20 : vector<1024x512xi1>, vector<1024x512xf32>
    %add3A_35 = arith.constant 9.99999993E-9 : f32
    %add3A_36 = vector.broadcast %add3A_35 : f32 to vector<1x512xf32>
    %add3A_37 = arith.addf %broadcast_in_dim3A_24, %add3A_36 : vector<1x512xf32>
    %div3A = arith.constant 1.000000e+00 : f32
    %div3A_38 = vector.broadcast %div3A : f32 to vector<1x512xf32>
    %div3A_39 = arith.divf %div3A_38, %add3A_37 : vector<1x512xf32>
    %add3A_40 = arith.addf %broadcast_in_dim3A_22, %div3A_39 : vector<1x512xf32>
    %reduce_min3A_41 = arith.constant dense<0x7F800000> : vector<512xf32>
    %reduce_min3A_42 = vector.multi_reduction <minimumf>, %select_n3A_34, %reduce_min3A_41 [0] : vector<1024x512xf32> to vector<512xf32>
    %broadcast_in_dim3A_43 = vector.shape_cast %reduce_min3A_42 : vector<512xf32> to vector<1x512xf32>
    %eq3A_44 = vector.broadcast %broadcast_in_dim3A_43 : vector<1x512xf32> to vector<1024x512xf32>
    %eq3A_45 = arith.cmpf oeq, %select_n3A_34, %eq3A_44 : vector<1024x512xf32>
    %jit3A_46 = arith.constant 1024 : i32
    %broadcast_in_dim3A_47 = vector.broadcast %jit3A_46 : i32 to vector<1024x512xi32>
    %select_n3A_48 = arith.select %eq3A_45, %iota3A, %broadcast_in_dim3A_47 : vector<1024x512xi1>, vector<1024x512xi32>
    %reduce_min3A_49 = arith.constant dense<2147483647> : vector<512xi32>
    %reduce_min3A_50 = vector.multi_reduction <minsi>, %select_n3A_48, %reduce_min3A_49 [0] : vector<1024x512xi32> to vector<512xi32>
    %broadcast_in_dim3A_51 = vector.shape_cast %reduce_min3A_50 : vector<512xi32> to vector<1x512xi32>
    %eq3A_52 = vector.broadcast %broadcast_in_dim3A_51 : vector<1x512xi32> to vector<1024x512xi32>
    %eq3A_53 = arith.cmpi eq, %iota3A, %eq3A_52 : vector<1024x512xi32>
    %jit3A_54 = arith.constant 0x7F800000 : f32
    %broadcast_in_dim3A_55 = vector.broadcast %jit3A_54 : f32 to vector<1024x512xf32>
    %select_n3A_56 = arith.select %eq3A_53, %broadcast_in_dim3A_55, %select_n3A_34 : vector<1024x512xi1>, vector<1024x512xf32>
    %add3A_57 = arith.constant 9.99999993E-9 : f32
    %add3A_58 = vector.broadcast %add3A_57 : f32 to vector<1x512xf32>
    %add3A_59 = arith.addf %broadcast_in_dim3A_43, %add3A_58 : vector<1x512xf32>
    %div3A_60 = arith.constant 1.000000e+00 : f32
    %div3A_61 = vector.broadcast %div3A_60 : f32 to vector<1x512xf32>
    %div3A_62 = arith.divf %div3A_61, %add3A_59 : vector<1x512xf32>
    %add3A_63 = arith.addf %add3A_40, %div3A_62 : vector<1x512xf32>
    %reduce_min3A_64 = arith.constant dense<0x7F800000> : vector<512xf32>
    %reduce_min3A_65 = vector.multi_reduction <minimumf>, %select_n3A_56, %reduce_min3A_64 [0] : vector<1024x512xf32> to vector<512xf32>
    %broadcast_in_dim3A_66 = vector.shape_cast %reduce_min3A_65 : vector<512xf32> to vector<1x512xf32>
    %eq3A_67 = vector.broadcast %broadcast_in_dim3A_66 : vector<1x512xf32> to vector<1024x512xf32>
    %eq3A_68 = arith.cmpf oeq, %select_n3A_56, %eq3A_67 : vector<1024x512xf32>
    %jit3A_69 = arith.constant 1024 : i32
    %broadcast_in_dim3A_70 = vector.broadcast %jit3A_69 : i32 to vector<1024x512xi32>
    %select_n3A_71 = arith.select %eq3A_68, %iota3A, %broadcast_in_dim3A_70 : vector<1024x512xi1>, vector<1024x512xi32>
    %reduce_min3A_72 = arith.constant dense<2147483647> : vector<512xi32>
    %reduce_min3A_73 = vector.multi_reduction <minsi>, %select_n3A_71, %reduce_min3A_72 [0] : vector<1024x512xi32> to vector<512xi32>
    %broadcast_in_dim3A_74 = vector.shape_cast %reduce_min3A_73 : vector<512xi32> to vector<1x512xi32>
    %add3A_75 = arith.constant 9.99999993E-9 : f32
    %add3A_76 = vector.broadcast %add3A_75 : f32 to vector<1x512xf32>
    %add3A_77 = arith.addf %broadcast_in_dim3A_66, %add3A_76 : vector<1x512xf32>
    %div3A_78 = arith.constant 1.000000e+00 : f32
    %div3A_79 = vector.broadcast %div3A_78 : f32 to vector<1x512xf32>
    %div3A_80 = arith.divf %div3A_79, %add3A_77 : vector<1x512xf32>
    %add3A_81 = arith.addf %add3A_63, %div3A_80 : vector<1x512xf32>
    %div3A_82 = arith.constant 1.000000e+00 : f32
    %div3A_83 = vector.broadcast %div3A_82 : f32 to vector<1x512xf32>
    %div3A_84 = arith.divf %div3A_83, %add3A_81 : vector<1x512xf32>
    %concatenate3A = tpu.concatenate %broadcast_in_dim3A_29, %broadcast_in_dim3A_51, %broadcast_in_dim3A_74 in 0 : vector<1x512xi32>, vector<1x512xi32>, vector<1x512xi32> -> vector<3x512xi32>
    %mul3A_85 = arith.constant 1024 : i32
    %mul3A_86 = arith.muli %arg0, %mul3A_85 : i32
    %add3A_87 = vector.broadcast %mul3A_86 : i32 to vector<3x512xi32>
    %add3A_88 = arith.addi %concatenate3A, %add3A_87 : vector<3x512xi32>
    %swap3A = arith.constant 0 : index
    %swap3A_89 = arith.constant 0 : index
    %swap3A_90 = arith.constant 0 : index
    %swap3A_91 = vector.load %arg4[%swap3A, %swap3A_89, %swap3A_90] : memref<1x3x512xi32, #tpu.memory_space<vmem>>, vector<1x3x512xi32>
    %swap3A_92 = vector.shape_cast %swap3A_91 : vector<1x3x512xi32> to vector<3x512xi32>
    %swap3A_93 = vector.shape_cast %add3A_88 : vector<3x512xi32> to vector<1x3x512xi32>
    tpu.vector_store %arg4[%swap3A, %swap3A_89, %swap3A_90], %swap3A_93 {strides = array<i32>} : memref<1x3x512xi32, #tpu.memory_space<vmem>>, vector<1x3x512xi32>,
    %mul3A_94 = arith.mulf %div3A_39, %div3A_84 : vector<1x512xf32>
    %mul3A_95 = arith.mulf %div3A_62, %div3A_84 : vector<1x512xf32>
    %mul3A_96 = arith.mulf %div3A_80, %div3A_84 : vector<1x512xf32>
    %concatenate3A_97 = tpu.concatenate %mul3A_94, %mul3A_95, %mul3A_96 in 0 : vector<1x512xf32>, vector<1x512xf32>, vector<1x512xf32> -> vector<3x512xf32>
    %swap3A_98 = arith.constant 0 : index
    %swap3A_99 = arith.constant 0 : index
    %swap3A_100 = arith.constant 0 : index
    %swap3A_101 = vector.load %arg5[%swap3A_98, %swap3A_99, %swap3A_100] : memref<1x3x512xf32, #tpu.memory_space<vmem>>, vector<1x3x512xf32>
    %swap3A_102 = vector.shape_cast %swap3A_101 : vector<1x3x512xf32> to vector<3x512xf32>
    %swap3A_103 = vector.shape_cast %concatenate3A_97 : vector<3x512xf32> to vector<1x3x512xf32>
    tpu.vector_store %arg5[%swap3A_98, %swap3A_99, %swap3A_100], %swap3A_103 {strides = array<i32>} : memref<1x3x512xf32, #tpu.memory_space<vmem>>, vector<1x3x512xf32>,
    return
  }
  func.func @transform_0(%arg0: i32, %arg1: i32) -> (i32, i32, i32) {
    %c0_i32 = arith.constant 0 : i32
    %c0_i32_0 = arith.constant 0 : i32
    %c0_i32_1 = arith.constant 0 : i32
    return %arg0, %c0_i32, %c0_i32_0 : i32, i32, i32
  }
  func.func @transform_1(%arg0: i32, %arg1: i32) -> (i32, i32, i32) {
    %c0_i32 = arith.constant 0 : i32
    %c0_i32_0 = arith.constant 0 : i32
    return %arg0, %c0_i32, %arg1 : i32, i32, i32
  }
  func.func @transform_2(%arg0: i32, %arg1: i32) -> (i32, i32, i32) {
    %c0_i32 = arith.constant 0 : i32
    %c0_i32_0 = arith.constant 0 : i32
    return %arg0, %c0_i32, %arg1 : i32, i32, i32
  }
  func.func @transform_3(%arg0: i32, %arg1: i32) -> (i32, i32, i32) {
    %c0_i32 = arith.constant 0 : i32
    %c0_i32_0 = arith.constant 0 : i32
    return %arg0, %c0_i32, %arg1 : i32, i32, i32
  }
}

module attributes {stable_mosaic.version = 14 : i64} {
  func.func @_stage1_body(%arg0: i32, %arg1: i32, %arg2: memref<512x512xf32, #tpu.memory_space<vmem>>, %arg3: memref<1x256x512xf32, #tpu.memory_space<vmem>>, %arg4: memref<512x512xbf16, #tpu.memory_space<vmem>>, %arg5: memref<512x256xbf16, #tpu.memory_space<vmem>>, %arg6: memref<1x512x512xbf16, #tpu.memory_space<vmem>>, %arg7: memref<512x1xf32, #tpu.memory_space<vmem>>, %arg8: memref<512x1xf32, #tpu.memory_space<vmem>>) attributes {dimension_semantics = [#tpu.dimension_semantics<arbitrary>, #tpu.dimension_semantics<arbitrary>], iteration_bounds = array<i64: 16, 8>, scalar_prefetch = 0 : i64, scratch_operands = 0 : i64, tpu.core_type = #tpu.core_type<tc>, window_params = [{transform_indices = @transform_0, window_bounds = array<i64: 512, 512>}, {transform_indices = @transform_1, window_bounds = array<i64: 1, 256, 512>}, {pipeline_mode = #tpu.pipeline_mode<synchronous>, transform_indices = @transform_2, window_bounds = array<i64: 512, 512>}, {pipeline_mode = #tpu.pipeline_mode<synchronous>, transform_indices = @transform_3, window_bounds = array<i64: 512, 256>}, {transform_indices = @transform_4, window_bounds = array<i64: 1, 512, 512>}, {pipeline_mode = #tpu.pipeline_mode<synchronous>, transform_indices = @transform_5, window_bounds = array<i64: 512, 1>}, {pipeline_mode = #tpu.pipeline_mode<synchronous>, transform_indices = @transform_6, window_bounds = array<i64: 512, 1>}]} {
    %get3A = arith.constant 0 : index
    %get3A_0 = arith.constant 0 : index
    %get3A_1 = vector.load %arg2[%get3A, %get3A_0] : memref<512x512xf32, #tpu.memory_space<vmem>>, vector<512x512xf32>
    %get3A_2 = arith.constant 0 : index
    %get3A_3 = arith.constant 0 : index
    %get3A_4 = vector.load %arg4[%get3A_2, %get3A_3] : memref<512x512xbf16, #tpu.memory_space<vmem>>, vector<512x512xbf16>
    %convert_element_type3A = arith.truncf %get3A_1 : vector<512x512xf32> to vector<512x512xbf16>
    %dot_general3A = arith.constant dense<0.000000e+00> : vector<512x512xf32>
    %dot_general3A_5 = tpu.matmul %get3A_4, %convert_element_type3A, %dot_general3A {dimension_numbers = #tpu.dot_dimension_numbers<[1], [1], [0], [0], [0, 0, 1, 0], [], []>, transpose_lhs_hint = false} : vector<512x512xbf16>, vector<512x512xbf16>, vector<512x512xf32> -> vector<512x512xf32>
    %get3A_6 = arith.constant 0 : index
    %get3A_7 = arith.constant 0 : index
    %get3A_8 = vector.load %arg5[%get3A_6, %get3A_7] : memref<512x256xbf16, #tpu.memory_space<vmem>>, vector<512x256xbf16>
    %get3A_9 = arith.constant 0 : index
    %get3A_10 = arith.constant 0 : index
    %get3A_11 = arith.constant 0 : index
    %get3A_12 = vector.load %arg3[%get3A_9, %get3A_10, %get3A_11] : memref<1x256x512xf32, #tpu.memory_space<vmem>>, vector<1x256x512xf32>
    %get3A_13 = vector.shape_cast %get3A_12 : vector<1x256x512xf32> to vector<256x512xf32>
    %convert_element_type3A_14 = arith.truncf %get3A_13 : vector<256x512xf32> to vector<256x512xbf16>
    %dot_general3A_15 = arith.constant dense<0.000000e+00> : vector<512x512xf32>
    %dot_general3A_16 = tpu.matmul %get3A_8, %convert_element_type3A_14, %dot_general3A_15 {dimension_numbers = #tpu.dot_dimension_numbers<[1], [0], [0], [1], [0, 0, 1, 1], [], []>, transpose_lhs_hint = false} : vector<512x256xbf16>, vector<256x512xbf16>, vector<512x512xf32> -> vector<512x512xf32>
    %add3A = arith.addf %dot_general3A_5, %dot_general3A_16 : vector<512x512xf32>
    %convert_element_type3A_17 = arith.truncf %add3A : vector<512x512xf32> to vector<512x512xbf16>
    %swap3A = arith.constant 0 : index
    %swap3A_18 = arith.constant 0 : index
    %swap3A_19 = arith.constant 0 : index
    %swap3A_20 = vector.load %arg6[%swap3A, %swap3A_18, %swap3A_19] : memref<1x512x512xbf16, #tpu.memory_space<vmem>>, vector<1x512x512xbf16>
    %swap3A_21 = vector.shape_cast %swap3A_20 : vector<1x512x512xbf16> to vector<512x512xbf16>
    %swap3A_22 = vector.shape_cast %convert_element_type3A_17 : vector<512x512xbf16> to vector<1x512x512xbf16>
    tpu.vector_store %arg6[%swap3A, %swap3A_18, %swap3A_19], %swap3A_22 {strides = array<i32>} : memref<1x512x512xbf16, #tpu.memory_space<vmem>>, vector<1x512x512xbf16>,
    %eq3A = arith.constant 0 : i32
    %eq3A_23 = arith.cmpi eq, %arg0, %eq3A : i32
    %eq3A_24 = arith.constant 0 : i32
    %eq3A_25 = arith.cmpi eq, %arg1, %eq3A_24 : i32
    %and3A = arith.andi %eq3A_23, %eq3A_25 : i1
    %convert_element_type3A_26 = arith.extui %and3A : i1 to i32
    %cond3A = arith.constant 0 : i32
    %cond3A_27 = arith.cmpi ne, %convert_element_type3A_26, %cond3A : i32
    scf.if %cond3A_27 {
      %broadcast_in_dim3A_46 = arith.constant 0.000000e+00 : f32
      %broadcast_in_dim3A_47 = vector.broadcast %broadcast_in_dim3A_46 : f32 to vector<512x1xf32>
      %swap3A_48 = arith.constant 0 : index
      %swap3A_49 = arith.constant 0 : index
      %swap3A_50 = vector.load %arg7[%swap3A_48, %swap3A_49] : memref<512x1xf32, #tpu.memory_space<vmem>>, vector<512x1xf32>
      tpu.vector_store %arg7[%swap3A_48, %swap3A_49], %broadcast_in_dim3A_47 {strides = array<i32>} : memref<512x1xf32, #tpu.memory_space<vmem>>, vector<512x1xf32>,
      %broadcast_in_dim3A_51 = arith.constant 0.000000e+00 : f32
      %broadcast_in_dim3A_52 = vector.broadcast %broadcast_in_dim3A_51 : f32 to vector<512x1xf32>
      %swap3A_53 = arith.constant 0 : index
      %swap3A_54 = arith.constant 0 : index
      %swap3A_55 = vector.load %arg8[%swap3A_53, %swap3A_54] : memref<512x1xf32, #tpu.memory_space<vmem>>, vector<512x1xf32>
      tpu.vector_store %arg8[%swap3A_53, %swap3A_54], %broadcast_in_dim3A_52 {strides = array<i32>} : memref<512x1xf32, #tpu.memory_space<vmem>>, vector<512x1xf32>,
    } else {
    }
    %get3A_28 = arith.constant 0 : index
    %get3A_29 = arith.constant 0 : index
    %get3A_30 = vector.load %arg7[%get3A_28, %get3A_29] : memref<512x1xf32, #tpu.memory_space<vmem>>, vector<512x1xf32>
    %reduce_sum3A = arith.constant dense<0.000000e+00> : vector<512xf32>
    %reduce_sum3A_31 = vector.multi_reduction <add>, %add3A, %reduce_sum3A [1] : vector<512x512xf32> to vector<512xf32>
    %broadcast_in_dim3A = vector.shape_cast %reduce_sum3A_31 : vector<512xf32> to vector<512x1xf32>
    %add3A_32 = arith.addf %get3A_30, %broadcast_in_dim3A : vector<512x1xf32>
    %swap3A_33 = arith.constant 0 : index
    %swap3A_34 = arith.constant 0 : index
    %swap3A_35 = vector.load %arg7[%swap3A_33, %swap3A_34] : memref<512x1xf32, #tpu.memory_space<vmem>>, vector<512x1xf32>
    tpu.vector_store %arg7[%swap3A_33, %swap3A_34], %add3A_32 {strides = array<i32>} : memref<512x1xf32, #tpu.memory_space<vmem>>, vector<512x1xf32>,
    %get3A_36 = arith.constant 0 : index
    %get3A_37 = arith.constant 0 : index
    %get3A_38 = vector.load %arg8[%get3A_36, %get3A_37] : memref<512x1xf32, #tpu.memory_space<vmem>>, vector<512x1xf32>
    %mul3A = arith.mulf %add3A, %add3A : vector<512x512xf32>
    %reduce_sum3A_39 = arith.constant dense<0.000000e+00> : vector<512xf32>
    %reduce_sum3A_40 = vector.multi_reduction <add>, %mul3A, %reduce_sum3A_39 [1] : vector<512x512xf32> to vector<512xf32>
    %broadcast_in_dim3A_41 = vector.shape_cast %reduce_sum3A_40 : vector<512xf32> to vector<512x1xf32>
    %add3A_42 = arith.addf %get3A_38, %broadcast_in_dim3A_41 : vector<512x1xf32>
    %swap3A_43 = arith.constant 0 : index
    %swap3A_44 = arith.constant 0 : index
    %swap3A_45 = vector.load %arg8[%swap3A_43, %swap3A_44] : memref<512x1xf32, #tpu.memory_space<vmem>>, vector<512x1xf32>
    tpu.vector_store %arg8[%swap3A_43, %swap3A_44], %add3A_42 {strides = array<i32>} : memref<512x1xf32, #tpu.memory_space<vmem>>, vector<512x1xf32>,
    return
  }
  func.func @transform_0(%arg0: i32, %arg1: i32) -> (i32, i32) {
    %mul3A = arith.constant 8 : i32
    %mul3A_0 = arith.muli %arg0, %mul3A : i32
    %add3A = arith.addi %mul3A_0, %arg1 : i32
    %c0_i32 = arith.constant 0 : i32
    %c0_i32_1 = arith.constant 0 : i32
    return %add3A, %c0_i32 : i32, i32
  }
  func.func @transform_1(%arg0: i32, %arg1: i32) -> (i32, i32, i32) {
    %c0_i32 = arith.constant 0 : i32
    %c0_i32_0 = arith.constant 0 : i32
    return %arg0, %c0_i32, %arg1 : i32, i32, i32
  }
  func.func @transform_2(%arg0: i32, %arg1: i32) -> (i32, i32) {
    %c0_i32 = arith.constant 0 : i32
    %c0_i32_0 = arith.constant 0 : i32
    %c0_i32_1 = arith.constant 0 : i32
    return %c0_i32, %c0_i32_0 : i32, i32
  }
  func.func @transform_3(%arg0: i32, %arg1: i32) -> (i32, i32) {
    %c0_i32 = arith.constant 0 : i32
    %c0_i32_0 = arith.constant 0 : i32
    %c0_i32_1 = arith.constant 0 : i32
    return %c0_i32, %c0_i32_0 : i32, i32
  }
  func.func @transform_4(%arg0: i32, %arg1: i32) -> (i32, i32, i32) {
    %c0_i32 = arith.constant 0 : i32
    %c0_i32_0 = arith.constant 0 : i32
    return %arg0, %c0_i32, %arg1 : i32, i32, i32
  }
  func.func @transform_5(%arg0: i32, %arg1: i32) -> (i32, i32) {
    %c0_i32 = arith.constant 0 : i32
    %c0_i32_0 = arith.constant 0 : i32
    %c0_i32_1 = arith.constant 0 : i32
    return %c0_i32, %c0_i32_0 : i32, i32
  }
  func.func @transform_6(%arg0: i32, %arg1: i32) -> (i32, i32) {
    %c0_i32 = arith.constant 0 : i32
    %c0_i32_0 = arith.constant 0 : i32
    %c0_i32_1 = arith.constant 0 : i32
    return %c0_i32, %c0_i32_0 : i32, i32
  }
}

module attributes {stable_mosaic.version = 14 : i64} {
  func.func @_stage2_body(%arg0: i32, %arg1: i32, %arg2: memref<1x512x1024xbf16, #tpu.memory_space<vmem>>, %arg3: memref<512x1xf32, #tpu.memory_space<vmem>>, %arg4: memref<512x1xf32, #tpu.memory_space<vmem>>, %arg5: memref<512x1xf32, #tpu.memory_space<vmem>>, %arg6: memref<512x1xf32, #tpu.memory_space<vmem>>, %arg7: memref<512x512xbf16, #tpu.memory_space<vmem>>, %arg8: memref<512x1xf32, #tpu.memory_space<vmem>>, %arg9: memref<1x512x1024xf32, #tpu.memory_space<vmem>>) attributes {dimension_semantics = [#tpu.dimension_semantics<arbitrary>, #tpu.dimension_semantics<arbitrary>], iteration_bounds = array<i64: 16, 4>, scalar_prefetch = 0 : i64, scratch_operands = 0 : i64, tpu.core_type = #tpu.core_type<tc>, window_params = [{transform_indices = @transform_0, window_bounds = array<i64: 1, 512, 1024>}, {pipeline_mode = #tpu.pipeline_mode<synchronous>, transform_indices = @transform_1, window_bounds = array<i64: 512, 1>}, {pipeline_mode = #tpu.pipeline_mode<synchronous>, transform_indices = @transform_2, window_bounds = array<i64: 512, 1>}, {pipeline_mode = #tpu.pipeline_mode<synchronous>, transform_indices = @transform_3, window_bounds = array<i64: 512, 1>}, {pipeline_mode = #tpu.pipeline_mode<synchronous>, transform_indices = @transform_4, window_bounds = array<i64: 512, 1>}, {pipeline_mode = #tpu.pipeline_mode<synchronous>, transform_indices = @transform_5, window_bounds = array<i64: 512, 512>}, {pipeline_mode = #tpu.pipeline_mode<synchronous>, transform_indices = @transform_6, window_bounds = array<i64: 512, 1>}, {transform_indices = @transform_7, window_bounds = array<i64: 1, 512, 1024>}]} {
    %get3A = arith.constant 0 : index
    %get3A_0 = arith.constant 0 : index
    %get3A_1 = vector.load %arg3[%get3A, %get3A_0] : memref<512x1xf32, #tpu.memory_space<vmem>>, vector<512x1xf32>
    %mul3A = arith.constant 1.52587891E-5 : f32
    %mul3A_2 = vector.broadcast %mul3A : f32 to vector<512x1xf32>
    %mul3A_3 = arith.mulf %get3A_1, %mul3A_2 : vector<512x1xf32>
    %get3A_4 = arith.constant 0 : index
    %get3A_5 = arith.constant 0 : index
    %get3A_6 = vector.load %arg4[%get3A_4, %get3A_5] : memref<512x1xf32, #tpu.memory_space<vmem>>, vector<512x1xf32>
    %mul3A_7 = arith.constant 1.52587891E-5 : f32
    %mul3A_8 = vector.broadcast %mul3A_7 : f32 to vector<512x1xf32>
    %mul3A_9 = arith.mulf %get3A_6, %mul3A_8 : vector<512x1xf32>
    %mul3A_10 = arith.mulf %mul3A_3, %mul3A_3 : vector<512x1xf32>
    %sub3A = arith.subf %mul3A_9, %mul3A_10 : vector<512x1xf32>
    %get3A_11 = arith.constant 0 : index
    %get3A_12 = arith.constant 0 : index
    %get3A_13 = vector.load %arg5[%get3A_11, %get3A_12] : memref<512x1xf32, #tpu.memory_space<vmem>>, vector<512x1xf32>
    %add3A = arith.constant 9.99999974E-6 : f32
    %add3A_14 = vector.broadcast %add3A : f32 to vector<512x1xf32>
    %add3A_15 = arith.addf %sub3A, %add3A_14 : vector<512x1xf32>
    %rsqrt3A = math.rsqrt %add3A_15 : vector<512x1xf32>
    %mul3A_16 = arith.mulf %get3A_13, %rsqrt3A : vector<512x1xf32>
    %get3A_17 = arith.constant 0 : index
    %get3A_18 = arith.constant 0 : index
    %get3A_19 = vector.load %arg6[%get3A_17, %get3A_18] : memref<512x1xf32, #tpu.memory_space<vmem>>, vector<512x1xf32>
    %mul3A_20 = arith.mulf %mul3A_3, %mul3A_16 : vector<512x1xf32>
    %sub3A_21 = arith.subf %get3A_19, %mul3A_20 : vector<512x1xf32>
    %get3A_22 = arith.constant 0 : index
    %get3A_23 = arith.constant 0 : index
    %get3A_24 = arith.constant 0 : index
    %get3A_25 = vector.load %arg2[%get3A_22, %get3A_23, %get3A_24] : memref<1x512x1024xbf16, #tpu.memory_space<vmem>>, vector<1x512x1024xbf16>
    %get3A_26 = vector.shape_cast %get3A_25 : vector<1x512x1024xbf16> to vector<512x1024xbf16>
    %convert_element_type3A = arith.extf %get3A_26 : vector<512x1024xbf16> to vector<512x1024xf32>
    %mul3A_27 = vector.broadcast %mul3A_16 : vector<512x1xf32> to vector<512x1024xf32>
    %mul3A_28 = arith.mulf %convert_element_type3A, %mul3A_27 : vector<512x1024xf32>
    %add3A_29 = vector.broadcast %sub3A_21 : vector<512x1xf32> to vector<512x1024xf32>
    %add3A_30 = arith.addf %mul3A_28, %add3A_29 : vector<512x1024xf32>
    %max3A = arith.constant 0.000000e+00 : f32
    %max3A_31 = vector.broadcast %max3A : f32 to vector<512x1024xf32>
    %max3A_32 = arith.maximumf %add3A_30, %max3A_31 : vector<512x1024xf32>
    %get3A_33 = arith.constant 0 : index
    %get3A_34 = arith.constant 0 : index
    %get3A_35 = vector.load %arg7[%get3A_33, %get3A_34] : memref<512x512xbf16, #tpu.memory_space<vmem>>, vector<512x512xbf16>
    %convert_element_type3A_36 = arith.truncf %max3A_32 : vector<512x1024xf32> to vector<512x1024xbf16>
    %dot_general3A = arith.constant dense<0.000000e+00> : vector<512x1024xf32>
    %dot_general3A_37 = tpu.matmul %get3A_35, %convert_element_type3A_36, %dot_general3A {dimension_numbers = #tpu.dot_dimension_numbers<[1], [0], [0], [1], [0, 0, 1, 1], [], []>, transpose_lhs_hint = false} : vector<512x512xbf16>, vector<512x1024xbf16>, vector<512x1024xf32> -> vector<512x1024xf32>
    %get3A_38 = arith.constant 0 : index
    %get3A_39 = arith.constant 0 : index
    %get3A_40 = vector.load %arg8[%get3A_38, %get3A_39] : memref<512x1xf32, #tpu.memory_space<vmem>>, vector<512x1xf32>
    %add3A_41 = vector.broadcast %get3A_40 : vector<512x1xf32> to vector<512x1024xf32>
    %add3A_42 = arith.addf %dot_general3A_37, %add3A_41 : vector<512x1024xf32>
    %max3A_43 = arith.constant 0.000000e+00 : f32
    %max3A_44 = vector.broadcast %max3A_43 : f32 to vector<512x1024xf32>
    %max3A_45 = arith.maximumf %add3A_42, %max3A_44 : vector<512x1024xf32>
    %swap3A = arith.constant 0 : index
    %swap3A_46 = arith.constant 0 : index
    %swap3A_47 = arith.constant 0 : index
    %swap3A_48 = vector.load %arg9[%swap3A, %swap3A_46, %swap3A_47] : memref<1x512x1024xf32, #tpu.memory_space<vmem>>, vector<1x512x1024xf32>
    %swap3A_49 = vector.shape_cast %swap3A_48 : vector<1x512x1024xf32> to vector<512x1024xf32>
    %swap3A_50 = vector.shape_cast %max3A_45 : vector<512x1024xf32> to vector<1x512x1024xf32>
    tpu.vector_store %arg9[%swap3A, %swap3A_46, %swap3A_47], %swap3A_50 {strides = array<i32>} : memref<1x512x1024xf32, #tpu.memory_space<vmem>>, vector<1x512x1024xf32>,
    return
  }
  func.func @transform_0(%arg0: i32, %arg1: i32) -> (i32, i32, i32) {
    %c0_i32 = arith.constant 0 : i32
    %c0_i32_0 = arith.constant 0 : i32
    return %arg0, %c0_i32, %arg1 : i32, i32, i32
  }
  func.func @transform_1(%arg0: i32, %arg1: i32) -> (i32, i32) {
    %c0_i32 = arith.constant 0 : i32
    %c0_i32_0 = arith.constant 0 : i32
    %c0_i32_1 = arith.constant 0 : i32
    return %c0_i32, %c0_i32_0 : i32, i32
  }
  func.func @transform_2(%arg0: i32, %arg1: i32) -> (i32, i32) {
    %c0_i32 = arith.constant 0 : i32
    %c0_i32_0 = arith.constant 0 : i32
    %c0_i32_1 = arith.constant 0 : i32
    return %c0_i32, %c0_i32_0 : i32, i32
  }
  func.func @transform_3(%arg0: i32, %arg1: i32) -> (i32, i32) {
    %c0_i32 = arith.constant 0 : i32
    %c0_i32_0 = arith.constant 0 : i32
    %c0_i32_1 = arith.constant 0 : i32
    return %c0_i32, %c0_i32_0 : i32, i32
  }
  func.func @transform_4(%arg0: i32, %arg1: i32) -> (i32, i32) {
    %c0_i32 = arith.constant 0 : i32
    %c0_i32_0 = arith.constant 0 : i32
    %c0_i32_1 = arith.constant 0 : i32
    return %c0_i32, %c0_i32_0 : i32, i32
  }
  func.func @transform_5(%arg0: i32, %arg1: i32) -> (i32, i32) {
    %c0_i32 = arith.constant 0 : i32
    %c0_i32_0 = arith.constant 0 : i32
    %c0_i32_1 = arith.constant 0 : i32
    return %c0_i32, %c0_i32_0 : i32, i32
  }
  func.func @transform_6(%arg0: i32, %arg1: i32) -> (i32, i32) {
    %c0_i32 = arith.constant 0 : i32
    %c0_i32_0 = arith.constant 0 : i32
    %c0_i32_1 = arith.constant 0 : i32
    return %c0_i32, %c0_i32_0 : i32, i32
  }
  func.func @transform_7(%arg0: i32, %arg1: i32) -> (i32, i32, i32) {
    %c0_i32 = arith.constant 0 : i32
    %c0_i32_0 = arith.constant 0 : i32
    return %arg0, %c0_i32, %arg1 : i32, i32, i32
  }
}

</mosaic_0001>

<sc_bundles>
// kernel: kernel.6.cloned.1.call-start
scs
__scs_entry_jumppad:
0x0: {  	(pc) =	sbr.rel $0x88, $3  }
0x1: {  	(tag) =	ssettag $0x0;
	lr =	simm.s32 $0x1  }
0x2: {  	[smem:$0x3F98] =	sst lr;
	_ =	strace $0xD0000000  }
0x3: {  	_ = 	snop  }
0x4: {  	_ = 	snop  }
0x5: {  	_ = 	snop  }
0x6: {  	_ = 	snop  }
0x7: {  	_ = 	snop  }
__scs_overlays_trampoline_lowered:
0x8: {  	[smem:$0x3FA7] =	sst s0  }
0x9: {  	[smem:$0x3FA8] =	sst s1  }
0xa: {  	[smem:$0x3FA9] =	sst s2  }
0xb: {  	[smem:$0x3FAA] =	sst s3  }
0xc: {  	[smem:$0x3FAB] =	sst s4  }
0xd: {  	[smem:$0x3FAC] =	sst s5  }
0xe: {  	[smem:$0x3FAD] =	sst s6  }
0xf: {  	[smem:$0x3FAE] =	sst s7  }
0x10: {  	[smem:$0x3FAF] =	sst s8  }
0x11: {  	[smem:$0x3FB0] =	sst s9;
	s0 =	simm.s32 @!p0 $0x0  }
0x12: {  	s1 =	sld [smem:$0x3F96];
	s0 =	simm.s32 @p0 $0x1  }
0x13: {  	[smem:$0x3FB1] =	sst s0;
	s0 =	simm.s32 @!p1 $0x0  }
0x14: {  	s2 =	sld [smem:$0x3F95];
	s0 =	simm.s32 @p1 $0x1  }
0x15: {  	[smem:$0x3FB2] =	sst s0;
	s0 =	simm.s32 @!p2 $0x0  }
0x16: {  	s3 =	sld [smem:$0x3FDB];
	s0 =	simm.s32 @p2 $0x1  }
0x17: {  	s4 =	simm.s32 $0x1BF5;
	[smem:$0x3FB4] =	sst s0  }
0x18: {  	s0 =	sld [smem:$0x3F97];
	_ =	swait.ge [sflag:s4], $0x0  }
0x19: {  	s7 =	sld [smem:$0x3F98]  }
0x1a: {  	s8 =	sadd.s32 $0xFFFFE003, lr  }
0x1b: {  	s9 =	sadd.s32 $0xFFFFFEF7, lr;
	s5 =	simm.s32 $0xFFFFFFFF;
	p2 =	slt.u32 s8, $0xFFFFF086  }
0x1c: {  	p1 =	slt.u32 s9, $0xF7A;
	s5 =	simm.s32 @!p2 $0x0  }
0x1d: {  	s5 =	simm.s32 @p1 $0x1;
	p0 =	seq.s32 s7, s2  }
0x1e: {  	s7 =	smul.u32 @!p0 $0xF7A, s2;
	p2 =	seq.s32 @!p0 s5, $0x0  }
0x1f: {  	s9 =	smul.u32 $0xF7A, s1;
	s8 =	simm.s32 @!p0 $0x1BF5;
	p2 =	por !p2, p0  }
0x20: {  	[sflag:s8] =	ssyncset.s32 @!p0 $0xFFFFF086;
	s6 =	sadd.s32 @!p0 s3, s7;
	s7 =	simm.s32 @!p0 $0x108  }
0x21: {  	s3 =	sadd.s32 s3, s9;
	s6 =	sadd.s32 @!p0 $0x88, s6;
	s7 =	simm.s32 @p2 $0x1082  }
0x22: {  	[simem:s7], [sflag:s8] =	dma.local @!p0 [hbm:s6], $0xF7A  }
0x23: {  	s9 =	sor.u32 $0xD0000000, s2;
	s6 =	simm.s32 $0x108;
	_ =	swait.ge @!p0 [sflag:s8], $0x0  }
0x24: {  	s3 =	sadd.s32 $0x88, s3;
	s6 =	simm.s32 @!p1 $0x1082;
	[sflag:s4] =	ssyncset.s32 $0xFFFFF086  }
0x25: {  	[simem:s6], [sflag:s4] =	dma.local [hbm:s3], $0xF7A  }
0x26: {  	[smem:$0x3F98] =	sst s1;
	(tag) =	ssettag s2;
	_ =	strace s9  }
0x27: {  	s1 =	sld [smem:$0x3FA8]  }
0x28: {  	s2 =	sld [smem:$0x3FA9]  }
0x29: {  	s4 =	sld [smem:$0x3FAB]  }
0x2a: {  	p0 =	seq.s32 s5, $0x0;
	s5 =	sld [smem:$0x3FAC]  }
0x2b: {  	s6 =	sld [smem:$0x3FAD]  }
0x2c: {  	s7 =	sld [smem:$0x3FAE]  }
0x2d: {  	s3 =	simm.s32 $0x108;
	s8 =	sld [smem:$0x3FAF]  }
0x2e: {  	s3 =	simm.s32 @!p0 $0x1082;
	s9 =	sld [smem:$0x3FB0]  }
0x2f: {  	lr =	sadd.s32 s0, s3;
	s0 =	sld [smem:$0x3FA7]  }
0x30: {  	s3 =	sld [smem:$0x3FAA]  }
0x31: {  	[smem:$0x3FB3] =	sst s10  }
0x32: {  	s10 =	sld [smem:$0x3FB1];
	_ =	sdelay $0x3  }
0x33: {  	p0 =	seq.s32 s10, $0x1;
	s10 =	sld [smem:$0x3FB3];
	_ =	sdelay $0x3  }
0x34: {  	[smem:$0x3FB3] =	sst s10  }
0x35: {  	s10 =	sld [smem:$0x3FB2];
	_ =	sdelay $0x3  }
0x36: {  	p1 =	seq.s32 s10, $0x1;
	s10 =	sld [smem:$0x3FB3];
	_ =	sdelay $0x3  }
0x37: {  	[smem:$0x3FB3] =	sst s10  }
0x38: {  	s10 =	sld [smem:$0x3FB4]  }
0x39: {  	_ = 	snop;
	(pc) =	sbr.ind lr, $3  }
0x3a: {  	_ = 	snop  }
0x3b: {  	_ = 	snop  }
0x3c: {  	p2 =	seq.s32 s10, $0x1;
	s10 =	sld [smem:$0x3FB3]  }
0x3d: {  	_ =	shalt  }
0x3e: {  	_ =	shalt  }
0x3f: {  	_ =	shalt  }
0x40: {  	_ =	shalt  }
0x41: {  	_ =	shalt  }
0x42: {  	_ =	shalt  }
0x43: {  	_ =	shalt  }
0x44: {  	_ =	shalt  }
0x45: {  	_ =	shalt  }
0x46: {  	_ =	shalt  }
0x47: {  	_ =	shalt  }
0x48: {  	_ =	shalt  }
0x49: {  	_ =	shalt  }
0x4a: {  	_ =	shalt  }
0x4b: {  	_ =	shalt  }
0x4c: {  	_ =	shalt  }
0x4d: {  	_ =	shalt  }
0x4e: {  	_ =	shalt  }
0x4f: {  	_ =	shalt  }
0x50: {  	_ =	shalt  }
0x51: {  	_ =	shalt  }
0x52: {  	_ =	shalt  }
0x53: {  	_ =	shalt  }
0x54: {  	_ =	shalt  }
0x55: {  	_ =	shalt  }
0x56: {  	_ =	shalt  }
0x57: {  	_ =	shalt  }
0x58: {  	_ =	shalt  }
0x59: {  	_ =	shalt  }
0x5a: {  	_ =	shalt  }
0x5b: {  	_ =	shalt  }
0x5c: {  	_ =	shalt  }
0x5d: {  	_ =	shalt  }
0x5e: {  	_ =	shalt  }
0x5f: {  	_ =	shalt  }
0x60: {  	_ =	shalt  }
0x61: {  	_ =	shalt  }
0x62: {  	_ =	shalt  }
0x63: {  	_ =	shalt  }
0x64: {  	_ =	shalt  }
0x65: {  	_ =	shalt  }
0x66: {  	_ =	shalt  }
0x67: {  	_ =	shalt  }
0x68: {  	_ =	shalt  }
0x69: {  	_ =	shalt  }
0x6a: {  	_ =	shalt  }
0x6b: {  	_ =	shalt  }
0x6c: {  	_ =	shalt  }
0x6d: {  	_ =	shalt  }
0x6e: {  	_ =	shalt  }
0x6f: {  	_ =	shalt  }
0x70: {  	_ =	shalt  }
0x71: {  	_ =	shalt  }
0x72: {  	_ =	shalt  }
0x73: {  	_ =	shalt  }
0x74: {  	_ =	shalt  }
0x75: {  	_ =	shalt  }
0x76: {  	_ =	shalt  }
0x77: {  	_ =	shalt  }
0x78: {  	_ =	shalt  }
0x79: {  	_ =	shalt  }
0x7a: {  	_ =	shalt  }
0x7b: {  	_ =	shalt  }
0x7c: {  	_ =	shalt  }
0x7d: {  	_ =	shalt  }
0x7e: {  	_ =	shalt  }
0x7f: {  	_ =	shalt  }
0x80: {  	_ =	shalt  }
0x81: {  	_ =	shalt  }
0x82: {  	_ =	shalt  }
0x83: {  	_ =	shalt  }
0x84: {  	_ =	shalt  }
0x85: {  	_ =	shalt  }
0x86: {  	_ =	shalt  }
0x87: {  	_ =	shalt  }
.Lfunc_end0:
.L_simem_size_0:
called_computation.1_lowered:
.L_overlay_start_0:
0x88: {  	s2 =	sld [smem:$0x3FD9]  }
0x89: {  	s3 =	sld [smem:$0x3FFE];
	_ =	sdelay $0x1  }
0x8a: {  	s1 =	srdreg.scid  }
0x8b: {  	s0 =	sand.u32 $0x1, s1  }
0x8c: {  	s17 =	sshll.u32 s0, $0xA;
	s2 =	sadd.s32 s3, s2  }
0x8d: {  	s2 =	sadd.s32 s2, s17  }
0x8e: {  	[smem:$0x3FBF] =	sst s2  }
0x8f: {  	_ = 	snop  }
0x90: {  	s2 =	sld [smem:$0x3FD0];
	(tm) =	ssettm $0x1  }
0x91: {  	s18 =	sld [smem:$0x3FFB];
	_ =	sdelay $0x3  }
0x92: {  	_ =	strace s18  }
0x93: {  	s3 =	sld [smem:$0x3FFC];
	_ =	sdelay $0x3  }
0x94: {  	_ =	strace s3  }
0x95: {  	s3 =	sld [smem:$0x3FFD];
	_ =	sdelay $0x3  }
0x96: {  	_ =	strace s3  }
0x97: {  	_ =	strace $0x8FFFFFFF  }
0x98: {  	s19 =	sld [smem:$0x3FDB];
	_ =	sdelay $0x1  }
0x99: {  	s4 =	simm.s32 $_scs_section_size  }
0x9a: {  	s5 =	simm.s32 $_size__tile_overlayer_lowered;
	s6 =	simm.s32 $_tile_overlayer_lowered  }
0x9b: {  	s22 =	simm.s32 $0x1BFF;
	s21 =	sshll.u32 s6, $0x1;
	s3 =	sadd.s32 s4, s19  }
0x9c: {  	s7 =	simm.s32 $0x0;
	s20 =	sshll.u32 s5, $0x1;
	s5 =	sadd.s32 s21, s3  }
0x9d: {  	[timem:s7], [sflag:s22] =	dma.local [hbm:s5], s20  }
0x9e: {  	_ =	swait.ge [sflag:s22], s20  }
0x9f: {  	s4 =	ssub.s32 $0x0, s20;
	[sflag:s22] =	ssyncset.done $0x0  }
0xa0: {  	[sflag:s22] =	ssyncadd.s32 s4;
	_ =	sdelay $0x1  }
0xa1: {  	s23 =	simm.s32 $0x1B8B  }
0xa2: {  	_ =	swait.ge [sflag:s23], $0x1  }
0xa3: {  	[sflag:s23] =	ssyncset.done $0x0  }
0xa4: {  	s25 =	simm.s32 $0x1B8E;
	s24 =	sld [smem:$0x3FFE];
	[sflag:s23] =	ssyncadd.s32 $0xFFFFFFFF  }
0xa5: {  	s26 =	simm.s32 $execute0_lowered;
	[smem:$0x3FD2] =	sst s25  }
0xa6: {  	s5 =	sshll.u32 s26, $0x1;
	_ =	strace $0x80000049;
	[dreg:$0x1] =	wrdreg $0xFFFFFFFF  }
0xa7: {  	s28 =	simm.s32 $_size_execute0_lowered;
	s3 =	sadd.s32 s3, s5;
	[dreg:$0x0] =	wrdreg $0x0  }
0xa8: {  	s5 =	sshll.u32 s28, $0x1;
	[dreg:$0x2] =	wrdreg s3  }
0xa9: {  	[dreg:$0x3] =	wrdreg s5  }
0xaa: {  	[dreg:$0x4] =	wrdreg $0xC0  }
0xab: {  	_ =	task [dreg:s7], $0x5FFFF  }
0xac: {  	[dreg:$0x1] =	wrdreg $0xFFFFFFFF  }
0xad: {  	[dreg:$0x0] =	wrdreg $0x60  }
0xae: {  	[dreg:$0x2] =	wrdreg s24  }
0xaf: {  	[dreg:$0x3] =	wrdreg s2  }
0xb0: {  	[dreg:$0x4] =	wrdreg $0x9  }
0xb1: {  	_ =	task.clear_ibuf [dreg:s7], $0x5FFFF;
	_ =	strace $0x90000049  }
0xb2: {  	s29 =	simm.s32 $0x9;
	_ =	strace $0x8000004B  }
0xb3: {  	_ =	swait.ge [sflag:s29], $0x1  }
0xb4: {  	[sflag:s29] =	ssyncadd.s32 $0xFFFFFFFF  }
0xb5: {  	_ =	strace $0x9000004B  }
0xb6: {  	_ =	sfence  }
0xb7: {  	s30 =	sld [smem:$0x0];
	_ =	sdelay $0x2  }
0xb8: {  	s31 =	sshll.u32 s1, $0xD;
	s1 =	sshrl.u32 s1, $0x2  }
0xb9: {  	s3 =	sand.u32 $0x4000, s31;
	s1 =	sadd.s32 s1, s30  }
0xba: {  	s0 =	sor.u32 s3, s0;
	s1 =	sshll.u32 s1, $0x11  }
0xbb: {  	s0 =	sor.u32 s1, s0  }
0xbc: {  	s0 =	sadd.s32 $0x8F2B, s0  }
0xbd: {  	[sflag:s0] =	ssyncadd.remote.s32 $0x1  }
0xbe: {  	_ =	sfence.sel $0xFFFF  }
0xbf: {  	[dreg:$0x0] =	wrdreg $0xFFFFFFFF;
	(pc) =	sbr.abs _section_cstart, $3  }
0xc0: {  	[dreg:$0x1] =	wrdreg $0xFFFFFFFF  }
0xc1: {  	_ =	task.clear_ibuf [dreg:s7], $0x2FFFF;
	_ =	strace $0x9FFFFFFF  }
0xc2: {  	(tm) =	ssettm $0x7FFFFFFF  }
0xc3: {  	_ =	shalt  }
tec
execute0_lowered:
.L_overlay_start_1:
0x0: {  	(tag) =	ssettag $0x1  }
0x1: {  	s0 =	rddreg [dreg:$0x0];
	s1 =	simm.s32 $0x0  }
0x2: {  	s25 =	srdreg.scid;
	s7 =	stileid.u32;
	s10 =	simm.s32 $0x2  }
0x3: {  	s16 =	simm.s32 $0x100;
	s17 =	simm.s32 $0x900;
	s18 =	simm.s32 $0x1100  }
0x4: {  	s19 =	simm.s32 $0x1900;
	s20 =	simm.s32 $0x2100;
	s21 =	simm.s32 $0x2900  }
0x5: {  	s22 =	simm.s32 $0x3100;
	s23 =	simm.s32 $0x3900;
	s24 =	simm.s32 $0x4100  }
0x6: {  	s28 =	simm.s32 $0x5900;
	s29 =	simm.s32 $0x1;
	s30 =	simm.s32 $0x6100  }
0x7: {  	[smem:$0x7FF] =	sst s1;
	s1 =	sand.u32 $0x1, s25;
	s4 =	sadd.s32 $0x1E00, s0  }
0x8: {  	s5 =	sadd.s32 $0x101E00, s0;
	s6 =	sadd.s32 $0x109E00, s0;
	s2 =	ssub.s32 $0x2, s1  }
0x9: {  	s26 =	sshll.u32 s7, $0xC;
	s8 =	sadd.s32 $0x1F00, s0;
	s3 =	sshrl.u32 s2, $0x1  }
0xa: {  	v2 =	vlaneseq.u32;
	s25 =	simm.s32 $0x4900;
	s1 =	sshll.u32 s1, $0xB;
	s2 =	ssub.s32 s2, s3  }
0xb: {  	vm0 =	vmmov $0xffff;
	v1 =	vshrl.u32 v2, $0x3;
	_ =	strace $0x8000004A;
	s7 =	sor.u32 s1, s26;
	s31 =	smax.u32 s2, $0x1  }
0xc: {  	v0 =	vand.u32 $0x7, v2;
	v2 =	vor.u32 $0x8, v2;
	v1 =	vmul.u32 $0x8, v1;
	s26 =	simm.s32 $0x5100;
	s1 =	simm.s32 $0x0;
	[dreg:$0x3] =	wrdreg s31  }
.LBB2_1:
0xd: {  	[dreg:$0x4] =	wrdreg s1;
	s0 =	simm.s32 $0x0  }
.LBB2_2:
0xe: {  	s1 =	sshll.u32 s0, $0x4  }
0xf: {  	s3 =	sadd.s32 s7, s1  }
0x10: {  	s2 =	sshll.u32 s3, $0x2  }
0x11: {  	s1 =	sand.u32 $0x70, s1;
	s2 =	sand.u32 $0x3FE00, s2  }
0x12: {  	s1 =	sor.u32 s1, s2  }
0x13: {  	s2 =	sshrl.u32 s1, $0x3  }
0x14: {  	s1 =	simm.s32 $0x0;
	s9 =	sadd.s32 s5, s2  }
0x15: {  	[tilespmem:s1], [sflag:$0x2] =	stream.linear.gather [hbm4b:s9+s1], $0x10, $0x38;
	[tilespmem:$0x8100] =	vst v63  }
0x16: {  	_ =	swait.ge [sflag:s10], $0x10  }
0x17: {  	[sflag:s10] =	ssyncset.done $0x0  }
0x18: {  	s11 =	simm.s32 $0x80;
	s13 =	sadd.s32 s6, s2;
	[sflag:s10] =	ssyncadd.s32 $0xFFFFFFF0  }
0x19: {  	[tilespmem:s11], [sflag:$0x2] =	stream.linear.gather [hbm4b:s13+s1], $0x10, $0x38;
	[tilespmem:$0x8100] =	vst v63  }
0x1a: {  	_ =	swait.ge [sflag:s10], $0x10  }
0x1b: {  	s14 =	sor.u32 $0x10, s2;
	[sflag:s10] =	ssyncset.done $0x0  }
0x1c: {  	s12 =	simm.s32 $0x10;
	s15 =	sadd.s32 s5, s14;
	[sflag:s10] =	ssyncadd.s32 $0xFFFFFFF0  }
0x1d: {  	[tilespmem:s12], [sflag:$0x2] =	stream.linear.gather [hbm4b:s15+s1], $0x10, $0x38;
	[tilespmem:$0x8100] =	vst v63  }
0x1e: {  	_ =	swait.ge [sflag:s10], $0x10  }
0x1f: {  	[sflag:s10] =	ssyncset.done $0x0  }
0x20: {  	s9 =	sadd.s32 s6, s14;
	s13 =	simm.s32 $0x90;
	[sflag:s10] =	ssyncadd.s32 $0xFFFFFFF0  }
0x21: {  	[tilespmem:s13], [sflag:$0x2] =	stream.linear.gather [hbm4b:s9+s1], $0x10, $0x38;
	[tilespmem:$0x8100] =	vst v63  }
0x22: {  	_ =	swait.ge [sflag:s10], $0x10  }
0x23: {  	s2 =	sor.u32 $0x20, s2;
	[sflag:s10] =	ssyncset.done $0x0  }
0x24: {  	s14 =	sadd.s32 s5, s2;
	s15 =	simm.s32 $0x20;
	[sflag:s10] =	ssyncadd.s32 $0xFFFFFFF0  }
0x25: {  	[tilespmem:s15], [sflag:$0x2] =	stream.linear.gather [hbm4b:s14+s1], $0x10, $0x38;
	[tilespmem:$0x8100] =	vst v63  }
0x26: {  	_ =	swait.ge [sflag:s10], $0x10  }
0x27: {  	[sflag:s10] =	ssyncset.done $0x0  }
0x28: {  	s2 =	sadd.s32 s6, s2;
	s11 =	simm.s32 $0xA0;
	[sflag:s10] =	ssyncadd.s32 $0xFFFFFFF0  }
0x29: {  	[tilespmem:s11], [sflag:$0x2] =	stream.linear.gather [hbm4b:s2+s1], $0x10, $0x38;
	[tilespmem:$0x8100] =	vst v63  }
0x2a: {  	_ =	swait.ge [sflag:s10], $0x10  }
0x2b: {  	[sflag:s10] =	ssyncset.done $0x0  }
0x2c: {  	[sflag:s10] =	ssyncadd.s32 $0xFFFFFFF0  }
0x2d: {  	v3 =	vld [tilespmem:$0x0];
	_ =	sdelay $0x4  }
0x2e: {  	v4 =	vshll.u32 v3, $0x2  }
0x2f: {  	v3 =	vand.u32 $0x7, v3;
	v4 =	vand.u32 $0xFFFFFFE0, v4  }
0x30: {  	v3 =	vor.u32 v3, v4  }
0x31: {  	v4 =	vperm.xlane v3, v0;
	_ =	sdelay $0x1  }
0x32: {  	v4 =	vadd.s32 v1, v4;
	_ =	sdelay $0x1  }
0x33: {  	v3 =	vperm.xlane v3, v2;
	_ =	sdelay $0x1  }
0x34: {  	v3 =	vadd.s32 v1, v3  }
0x35: {  	[tilespmem:s16], [sflag:$0x1] =	stream.indirect_vreg.gather [hbm4b:s4+s1], $0x80, v4, vm0, $0xb8;
	[tilespmem:$0x8100] =	vst v63  }
0x36: {  	_ = 	snop  }
0x37: {  	[tilespmem:s17], [sflag:$0x1] =	stream.indirect_vreg.gather [hbm4b:s8+s1], $0x80, v4, vm0, $0xb8;
	[tilespmem:$0x8100] =	vst v63  }
0x38: {  	_ = 	snop  }
0x39: {  	[tilespmem:s18], [sflag:$0x1] =	stream.indirect_vreg.gather [hbm4b:s4+s1], $0x80, v3, vm0, $0xb8;
	[tilespmem:$0x8100] =	vst v63  }
0x3a: {  	_ = 	snop  }
0x3b: {  	[tilespmem:s19], [sflag:$0x1] =	stream.indirect_vreg.gather [hbm4b:s8+s1], $0x80, v3, vm0, $0xb8;
	[tilespmem:$0x8100] =	vst v63  }
0x3c: {  	v3 =	vld [tilespmem:$0x10];
	_ =	sdelay $0x4  }
0x3d: {  	v4 =	vshll.u32 v3, $0x2  }
0x3e: {  	v3 =	vand.u32 $0x7, v3;
	v4 =	vand.u32 $0xFFFFFFE0, v4  }
0x3f: {  	v3 =	vor.u32 v3, v4  }
0x40: {  	v4 =	vperm.xlane v3, v0;
	_ =	sdelay $0x1  }
0x41: {  	v4 =	vadd.s32 v1, v4;
	_ =	sdelay $0x1  }
0x42: {  	v3 =	vperm.xlane v3, v2;
	_ =	sdelay $0x1  }
0x43: {  	v3 =	vadd.s32 v1, v3  }
0x44: {  	[tilespmem:s20], [sflag:$0x1] =	stream.indirect_vreg.gather [hbm4b:s4+s1], $0x80, v4, vm0, $0xb8;
	[tilespmem:$0x8100] =	vst v63  }
0x45: {  	_ = 	snop  }
0x46: {  	[tilespmem:s21], [sflag:$0x1] =	stream.indirect_vreg.gather [hbm4b:s8+s1], $0x80, v4, vm0, $0xb8;
	[tilespmem:$0x8100] =	vst v63  }
0x47: {  	_ = 	snop  }
0x48: {  	[tilespmem:s22], [sflag:$0x1] =	stream.indirect_vreg.gather [hbm4b:s4+s1], $0x80, v3, vm0, $0xb8;
	[tilespmem:$0x8100] =	vst v63  }
0x49: {  	_ = 	snop  }
0x4a: {  	[tilespmem:s23], [sflag:$0x1] =	stream.indirect_vreg.gather [hbm4b:s8+s1], $0x80, v3, vm0, $0xb8;
	[tilespmem:$0x8100] =	vst v63  }
0x4b: {  	v3 =	vld [tilespmem:$0x20];
	_ =	sdelay $0x4  }
0x4c: {  	v4 =	vshll.u32 v3, $0x2  }
0x4d: {  	v3 =	vand.u32 $0x7, v3;
	v4 =	vand.u32 $0xFFFFFFE0, v4  }
0x4e: {  	v3 =	vor.u32 v3, v4  }
0x4f: {  	v4 =	vperm.xlane v3, v0;
	_ =	sdelay $0x1  }
0x50: {  	v4 =	vadd.s32 v1, v4;
	_ =	sdelay $0x1  }
0x51: {  	v3 =	vperm.xlane v3, v2;
	_ =	sdelay $0x1  }
0x52: {  	v3 =	vadd.s32 v1, v3  }
0x53: {  	[tilespmem:s24], [sflag:$0x1] =	stream.indirect_vreg.gather [hbm4b:s4+s1], $0x80, v4, vm0, $0xb8;
	[tilespmem:$0x8100] =	vst v63  }
0x54: {  	_ = 	snop  }
0x55: {  	[tilespmem:s25], [sflag:$0x1] =	stream.indirect_vreg.gather [hbm4b:s8+s1], $0x80, v4, vm0, $0xb8;
	[tilespmem:$0x8100] =	vst v63  }
0x56: {  	_ = 	snop  }
0x57: {  	[tilespmem:s26], [sflag:$0x1] =	stream.indirect_vreg.gather [hbm4b:s4+s1], $0x80, v3, vm0, $0xb8;
	[tilespmem:$0x8100] =	vst v63  }
0x58: {  	_ = 	snop  }
0x59: {  	[tilespmem:s28], [sflag:$0x1] =	stream.indirect_vreg.gather [hbm4b:s8+s1], $0x80, v3, vm0, $0xb8;
	[tilespmem:$0x8100] =	vst v63  }
0x5a: {  	_ =	swait.ge [sflag:s29], $0x6000  }
0x5b: {  	[sflag:s29] =	ssyncset.done $0x0  }
0x5c: {  	[sflag:s29] =	ssyncadd.s32 $0xFFFFA000  }
0x5d: {  	v6 =	vld [tilespmem:$0x80]  }
0x5e: {  	s12 =	sand.u32 $0x1000, s1;
	s13 =	sand.u32 $0x380, s1;
	v7 =	vld [tilespmem:$0x90]  }
0x5f: {  	s9 =	sor.u32 s13, s12;
	v8 =	vld [tilespmem:$0xA0]  }
0x60: {  	v13 =	vld [tilespmem:s9+$0x4150]  }
0x61: {  	v16 =	vld [tilespmem:s9+$0x120]  }
0x62: {  	v12 =	vld [tilespmem:s9+$0x170]  }
0x63: {  	v26 =	vld [tilespmem:s9+$0x4160]  }
0x64: {  	v27 =	vld [tilespmem:s9+$0x4130]  }
0x65: {  	v23 =	vld [tilespmem:s9+$0x4170]  }
0x66: {  	v24 =	vld [tilespmem:s9+$0x2150]  }
0x67: {  	v28 =	vld [tilespmem:s9+$0x130]  }
0x68: {  	v29 =	vld [tilespmem:s9+$0x150]  }
0x69: {  	v3 =	vmov s1;
	v22 =	vld [tilespmem:s9+$0x2170]  }
0x6a: {  	v3 =	vand.u32 $0xF, v3;
	v38 =	vld [tilespmem:s9+$0x160]  }
0x6b: {  	v3 =	vbroadcast v3, $0x0;
	v39 =	vld [tilespmem:s9+$0x2160]  }
0x6c: {  	v30 =	vld [tilespmem:s9+$0x140]  }
0x6d: {  	v31 =	vld [tilespmem:s9+$0x2140];
	v5 =	vperm.xlane v7, v3;
	v4 =	vperm.xlane v6, v3  }
0x6e: {  	v32 =	vld [tilespmem:s9+$0x2130];
	v3 =	vperm.xlane v8, v3  }
0x6f: {  	v33 =	vld [tilespmem:s9+$0x4140];
	v12 =	vmul.f32 v12, v4;
	v43 =	vmul.f32 v22, v5  }
0x70: {  	v34 =	vld [tilespmem:s9+$0x110];
	v38 =	vmul.f32 v38, v4;
	v39 =	vmul.f32 v39, v5  }
0x71: {  	v35 =	vld [tilespmem:s9+$0x2110];
	v49 =	vmul.f32 v24, v5;
	v29 =	vmul.f32 v29, v4  }
0x72: {  	v36 =	vld [tilespmem:s9+$0x100];
	v44 =	vmul.f32 v23, v3;
	v26 =	vmul.f32 v26, v3;
	v38 =	vadd.f32 v39, v38  }
0x73: {  	v40 =	vld [tilespmem:s9+$0x2120];
	v30 =	vmul.f32 v30, v4;
	v13 =	vmul.f32 v13, v3;
	v29 =	vadd.f32 v49, v29  }
0x74: {  	v41 =	vld [tilespmem:s9+$0x4110];
	v31 =	vmul.f32 v31, v5;
	v32 =	vmul.f32 v32, v5;
	v26 =	vadd.f32 v26, v38  }
0x75: {  	v37 =	vld [tilespmem:s9+$0x2100];
	v28 =	vmul.f32 v28, v4;
	v27 =	vmul.f32 v27, v3;
	v29 =	vadd.f32 v13, v29  }
0x76: {  	v42 =	vld [tilespmem:s9+$0x4120];
	v16 =	vmul.f32 v16, v4;
	v30 =	vadd.f32 v31, v30;
	[tilespmem:s9+$0x6160] =	vst v26;
	v26 =	vmul.f32 v33, v3  }
0x77: {  	v25 =	vld [tilespmem:s9+$0x4100];
	v28 =	vadd.f32 v32, v28;
	v31 =	vmul.f32 v35, v5;
	[tilespmem:s9+$0x6150] =	vst v29;
	v29 =	vmul.f32 v34, v4  }
0x78: {  	v12 =	vadd.f32 v43, v12;
	v26 =	vadd.f32 v26, v30;
	v30 =	vmul.f32 v40, v5  }
0x79: {  	v27 =	vadd.f32 v27, v28;
	v29 =	vadd.f32 v31, v29;
	v31 =	vmul.f32 v41, v3  }
0x7a: {  	v16 =	vadd.f32 v30, v16;
	[tilespmem:s9+$0x6140] =	vst v26;
	v26 =	vmul.f32 v36, v4;
	v30 =	vmul.f32 v37, v5  }
0x7b: {  	v44 =	vadd.f32 v44, v12;
	v28 =	vmul.f32 v42, v3  }
0x7c: {  	v25 =	vmul.f32 v25, v3;
	[tilespmem:s9+$0x6130] =	vst v27;
	v27 =	vadd.f32 v31, v29;
	v26 =	vadd.f32 v30, v26  }
0x7d: {  	[tilespmem:s9+$0x6170] =	vst v44;
	v28 =	vadd.f32 v28, v16  }
0x7e: {  	s1 =	sand.u32 $0xFFFFF000, s1;
	[tilespmem:s9+$0x6110] =	vst v27;
	v25 =	vadd.f32 v25, v26  }
0x7f: {  	s1 =	sadd.s32 $0x0, s1;
	[tilespmem:s9+$0x6120] =	vst v28  }
0x80: {  	s14 =	sor.u32 $0x2400, s1;
	v45 =	vld [tilespmem:s9+$0x500];
	[tilespmem:s9+$0x6100] =	vst v25  }
0x81: {  	v25 =	vld [tilespmem:s14+$0x100]  }
0x82: {  	s15 =	sor.u32 $0x4400, s1  }
0x83: {  	v27 =	vld [tilespmem:s15+$0x100];
	_ =	sdelay $0x2  }
0x84: {  	v29 =	vmul.f32 v45, v4;
	v25 =	vmul.f32 v25, v5;
	_ =	sdelay $0x1  }
0x85: {  	v27 =	vmul.f32 v27, v3;
	v25 =	vadd.f32 v25, v29;
	_ =	sdelay $0x1  }
0x86: {  	v25 =	vadd.f32 v27, v25;
	_ =	sdelay $0x1  }
0x87: {  	v29 =	vld [tilespmem:s9+$0x510];
	[tilespmem:s9+$0x6500] =	vst v25  }
0x88: {  	v25 =	vld [tilespmem:s14+$0x110];
	_ =	sdelay $0x1  }
0x89: {  	v30 =	vld [tilespmem:s15+$0x110];
	_ =	sdelay $0x2  }
0x8a: {  	v29 =	vmul.f32 v29, v4;
	v25 =	vmul.f32 v25, v5;
	_ =	sdelay $0x1  }
0x8b: {  	v25 =	vadd.f32 v25, v29;
	v29 =	vmul.f32 v30, v3;
	_ =	sdelay $0x1  }
0x8c: {  	v25 =	vadd.f32 v29, v25;
	_ =	sdelay $0x1  }
0x8d: {  	v29 =	vld [tilespmem:s9+$0x520];
	[tilespmem:s9+$0x6510] =	vst v25  }
0x8e: {  	v25 =	vld [tilespmem:s14+$0x120];
	_ =	sdelay $0x1  }
0x8f: {  	v30 =	vld [tilespmem:s15+$0x120];
	_ =	sdelay $0x2  }
0x90: {  	v29 =	vmul.f32 v29, v4;
	v25 =	vmul.f32 v25, v5;
	_ =	sdelay $0x1  }
0x91: {  	v25 =	vadd.f32 v25, v29;
	v29 =	vmul.f32 v30, v3;
	_ =	sdelay $0x1  }
0x92: {  	v25 =	vadd.f32 v29, v25;
	_ =	sdelay $0x1  }
0x93: {  	v29 =	vld [tilespmem:s9+$0x530];
	[tilespmem:s9+$0x6520] =	vst v25  }
0x94: {  	v25 =	vld [tilespmem:s14+$0x130];
	_ =	sdelay $0x1  }
0x95: {  	v30 =	vld [tilespmem:s15+$0x130];
	_ =	sdelay $0x2  }
0x96: {  	v29 =	vmul.f32 v29, v4;
	v25 =	vmul.f32 v25, v5;
	_ =	sdelay $0x1  }
0x97: {  	v25 =	vadd.f32 v25, v29;
	v29 =	vmul.f32 v30, v3;
	_ =	sdelay $0x1  }
0x98: {  	v25 =	vadd.f32 v29, v25;
	_ =	sdelay $0x1  }
0x99: {  	v29 =	vld [tilespmem:s9+$0x540];
	[tilespmem:s9+$0x6530] =	vst v25  }
0x9a: {  	v25 =	vld [tilespmem:s14+$0x140];
	_ =	sdelay $0x1  }
0x9b: {  	v30 =	vld [tilespmem:s15+$0x140];
	_ =	sdelay $0x2  }
0x9c: {  	v29 =	vmul.f32 v29, v4;
	v25 =	vmul.f32 v25, v5  }
0x9d: {  	v15 =	vld [tilespmem:s9+$0x2960]  }
0x9e: {  	v14 =	vld [tilespmem:s9+$0x4960];
	v25 =	vadd.f32 v25, v29;
	v29 =	vmul.f32 v30, v3  }
0x9f: {  	v17 =	vld [tilespmem:s9+$0x970]  }
0xa0: {  	v18 =	vld [tilespmem:s9+$0x2970];
	v25 =	vadd.f32 v29, v25  }
0xa1: {  	v10 =	vld [tilespmem:s9+$0x4970]  }
0xa2: {  	v29 =	vld [tilespmem:s9+$0x550];
	[tilespmem:s9+$0x6540] =	vst v25  }
0xa3: {  	v25 =	vld [tilespmem:s14+$0x150]  }
0xa4: {  	v11 =	vld [tilespmem:s9+$0x570]  }
0xa5: {  	v30 =	vld [tilespmem:s15+$0x150]  }
0xa6: {  	v19 =	vld [tilespmem:s9+$0x900]  }
0xa7: {  	v21 =	vld [tilespmem:s9+$0x2900]  }
0xa8: {  	v20 =	vld [tilespmem:s9+$0x910];
	v29 =	vmul.f32 v29, v4;
	v25 =	vmul.f32 v25, v5  }
0xa9: {  	v63 =	vld [tilespmem:s9+$0x2910]  }
0xaa: {  	v48 =	vld [tilespmem:s9+$0x920];
	v25 =	vadd.f32 v25, v29;
	v29 =	vmul.f32 v30, v3  }
0xab: {  	v50 =	vld [tilespmem:s9+$0x930]  }
0xac: {  	v51 =	vld [tilespmem:s9+$0x2930];
	v25 =	vadd.f32 v29, v25  }
0xad: {  	v52 =	vld [tilespmem:s9+$0x940]  }
0xae: {  	v31 =	vld [tilespmem:s9+$0x560];
	[tilespmem:s9+$0x6550] =	vst v25  }
0xaf: {  	v25 =	vld [tilespmem:s14+$0x160]  }
0xb0: {  	v53 =	vld [tilespmem:s9+$0x2940]  }
0xb1: {  	v17 =	vmul.f32 v17, v4;
	v18 =	vmul.f32 v18, v5;
	v57 =	vld [tilespmem:s15+$0x160]  }
0xb2: {  	v54 =	vld [tilespmem:s9+$0x4900];
	v19 =	vmul.f32 v19, v4;
	v21 =	vmul.f32 v21, v5  }
0xb3: {  	v56 =	vld [tilespmem:s9+$0x4930];
	v23 =	vmul.f32 v48, v4;
	v15 =	vmul.f32 v15, v5  }
0xb4: {  	v24 =	vld [tilespmem:s9+$0x2920];
	v31 =	vmul.f32 v31, v4;
	v25 =	vmul.f32 v25, v5  }
0xb5: {  	v60 =	vmul.f32 v53, v5;
	v17 =	vadd.f32 v18, v17;
	v18 =	vmul.f32 v20, v4;
	v27 =	vld [tilespmem:s9+$0x960]  }
0xb6: {  	v55 =	vld [tilespmem:s9+$0x4910];
	v20 =	vmul.f32 v63, v5;
	v58 =	vadd.f32 v25, v31;
	v25 =	vmul.f32 v57, v3  }
0xb7: {  	v14 =	vmul.f32 v14, v3;
	v61 =	vmul.f32 v54, v3;
	v28 =	vld [tilespmem:s9+$0x950]  }
0xb8: {  	v18 =	vadd.f32 v20, v18;
	v20 =	vmul.f32 v51, v5;
	v26 =	vld [tilespmem:s9+$0x2950];
	v22 =	vadd.f32 v25, v58  }
0xb9: {  	v59 =	vmul.f32 v24, v5;
	v24 =	vmul.f32 v50, v4;
	v30 =	vld [tilespmem:s9+$0x4920]  }
0xba: {  	v62 =	vmul.f32 v56, v3;
	v19 =	vadd.f32 v21, v19;
	v29 =	vld [tilespmem:s9+$0x4940];
	v25 =	vmul.f32 v27, v4;
	[tilespmem:s9+$0x6560] =	vst v22  }
0xbb: {  	v10 =	vmul.f32 v10, v3;
	v20 =	vadd.f32 v20, v24;
	v27 =	vmul.f32 v52, v4;
	v24 =	vld [tilespmem:s14+$0x170]  }
0xbc: {  	v9 =	vld [tilespmem:s9+$0x4950];
	v11 =	vmul.f32 v11, v4;
	v19 =	vadd.f32 v61, v19;
	v15 =	vadd.f32 v15, v25  }
0xbd: {  	v20 =	vadd.f32 v62, v20;
	v22 =	vadd.f32 v60, v27;
	v25 =	vmul.f32 v55, v3;
	v27 =	vld [tilespmem:s15+$0x170]  }
0xbe: {  	v10 =	vadd.f32 v10, v17;
	v26 =	vmul.f32 v26, v5;
	[tilespmem:s9+$0x6900] =	vst v19;
	v14 =	vadd.f32 v14, v15  }
0xbf: {  	[tilespmem:s9+$0x6930] =	vst v20;
	v15 =	vmul.f32 v28, v4;
	v18 =	vadd.f32 v25, v18;
	v25 =	vmul.f32 v29, v3  }
0xc0: {  	v21 =	vadd.f32 v59, v23;
	[tilespmem:s9+$0x6960] =	vst v14;
	v14 =	vmul.f32 v30, v3;
	v63 =	vmul.f32 v24, v5  }
0xc1: {  	v9 =	vmul.f32 v9, v3;
	[tilespmem:s9+$0x6970] =	vst v10;
	v19 =	vadd.f32 v25, v22;
	v15 =	vadd.f32 v26, v15  }
0xc2: {  	[tilespmem:s9+$0x6910] =	vst v18;
	v14 =	vadd.f32 v14, v21;
	v17 =	vmul.f32 v27, v3;
	v11 =	vadd.f32 v63, v11  }
0xc3: {  	[tilespmem:s9+$0x6940] =	vst v19;
	v9 =	vadd.f32 v9, v15  }
0xc4: {  	[tilespmem:s9+$0x6920] =	vst v14;
	v10 =	vadd.f32 v17, v11  }
0xc5: {  	[tilespmem:s9+$0x6950] =	vst v9  }
0xc6: {  	v12 =	vld [tilespmem:s9+$0xD00];
	s14 =	sor.u32 $0x2C00, s1;
	[tilespmem:s9+$0x6570] =	vst v10  }
0xc7: {  	v9 =	vld [tilespmem:s14+$0x100]  }
0xc8: {  	s13 =	sor.u32 $0x4C00, s1  }
0xc9: {  	v10 =	vld [tilespmem:s13+$0x100];
	_ =	sdelay $0x2  }
0xca: {  	v11 =	vmul.f32 v12, v4;
	v9 =	vmul.f32 v9, v5;
	_ =	sdelay $0x1  }
0xcb: {  	v10 =	vmul.f32 v10, v3;
	v9 =	vadd.f32 v9, v11;
	_ =	sdelay $0x1  }
0xcc: {  	v9 =	vadd.f32 v10, v9;
	_ =	sdelay $0x1  }
0xcd: {  	v13 =	vld [tilespmem:s9+$0xD10];
	[tilespmem:s9+$0x6D00] =	vst v9  }
0xce: {  	v9 =	vld [tilespmem:s14+$0x110];
	_ =	sdelay $0x1  }
0xcf: {  	v10 =	vld [tilespmem:s13+$0x110];
	_ =	sdelay $0x2  }
0xd0: {  	v11 =	vmul.f32 v13, v4;
	v9 =	vmul.f32 v9, v5;
	_ =	sdelay $0x1  }
0xd1: {  	v10 =	vmul.f32 v10, v3;
	v9 =	vadd.f32 v9, v11;
	_ =	sdelay $0x1  }
0xd2: {  	v9 =	vadd.f32 v10, v9;
	_ =	sdelay $0x1  }
0xd3: {  	v16 =	vld [tilespmem:s9+$0xD20];
	[tilespmem:s9+$0x6D10] =	vst v9  }
0xd4: {  	v9 =	vld [tilespmem:s14+$0x120];
	_ =	sdelay $0x1  }
0xd5: {  	v10 =	vld [tilespmem:s13+$0x120];
	_ =	sdelay $0x2  }
0xd6: {  	v11 =	vmul.f32 v16, v4;
	v9 =	vmul.f32 v9, v5;
	_ =	sdelay $0x1  }
0xd7: {  	v10 =	vmul.f32 v10, v3;
	v9 =	vadd.f32 v9, v11  }
0xd8: {  	v15 =	vld [tilespmem:s9+$0xD40]  }
0xd9: {  	v13 =	vld [tilespmem:s9+$0xD50];
	v9 =	vadd.f32 v10, v9  }
0xda: {  	v16 =	vld [tilespmem:s9+$0xD60]  }
0xdb: {  	[tilespmem:s9+$0x6D20] =	vst v9;
	v9 =	vld [tilespmem:s9+$0xD30]  }
0xdc: {  	s31 =	simm.s32 $0x80;
	s1 =	simm.s32 $0x200;
	v10 =	vld [tilespmem:s14+$0x130]  }
0xdd: {  	s12 =	sand.u32 $0x380, s31;
	s11 =	sand.u32 $0x1000, s1;
	v11 =	vld [tilespmem:s9+$0xD70]  }
0xde: {  	s2 =	sor.u32 s12, s11;
	v17 =	vld [tilespmem:s13+$0x130]  }
0xdf: {  	v18 =	vld [tilespmem:s2+$0x4150]  }
0xe0: {  	v14 =	vld [tilespmem:s2+$0x120]  }
0xe1: {  	v26 =	vld [tilespmem:s2+$0x170];
	v9 =	vmul.f32 v9, v4;
	v10 =	vmul.f32 v10, v5  }
0xe2: {  	s15 =	simm.s32 $0x1;
	v12 =	vld [tilespmem:s2+$0x4100]  }
0xe3: {  	v29 =	vld [tilespmem:s2+$0x4160];
	v9 =	vadd.f32 v10, v9;
	v10 =	vmul.f32 v17, v3;
	v17 =	vmov s15  }
0xe4: {  	v30 =	vld [tilespmem:s2+$0x4130];
	v17 =	vand.u32 $0xF, v17  }
0xe5: {  	v27 =	vld [tilespmem:s2+$0x4170];
	v9 =	vadd.f32 v10, v9;
	v25 =	vbroadcast v17, $0x0  }
0xe6: {  	v31 =	vld [tilespmem:s2+$0x2150]  }
0xe7: {  	v28 =	vld [tilespmem:s2+$0x130];
	[tilespmem:s9+$0x6D30] =	vst v9;
	v9 =	vperm.xlane v8, v25  }
0xe8: {  	s11 =	simm.s32 $0x2;
	v10 =	vperm.xlane v7, v25;
	v17 =	vld [tilespmem:s14+$0x140]  }
.LBB2_3:
0xe9: {  	p0 =	sne.s32 s11, $0xF;
	v19 =	vmul.f32 v30, v9;
	v20 =	vld [tilespmem:s13+$0x140];
	s12 =	smov.u32 s11;
	s11 =	sadd.s32 $0x1, s11  }
0xea: {  	v22 =	vld [tilespmem:s2+$0x150]  }
0xeb: {  	v15 =	vmul.f32 v15, v4;
	v23 =	vmul.f32 v31, v10;
	v24 =	vld [tilespmem:s2+$0x2170]  }
0xec: {  	v21 =	vperm.xlane v6, v25;
	v27 =	vmul.f32 v27, v9;
	v25 =	vld [tilespmem:s2+$0x140]  }
0xed: {  	v29 =	vmul.f32 v29, v9;
	v30 =	vld [tilespmem:s2+$0x2140];
	v17 =	vmul.f32 v17, v5  }
0xee: {  	v31 =	vld [tilespmem:s2+$0x2130]  }
0xef: {  	v32 =	vld [tilespmem:s2+$0x4140];
	v22 =	vmul.f32 v22, v21;
	v15 =	vadd.f32 v17, v15;
	v17 =	vmul.f32 v20, v3  }
0xf0: {  	v26 =	vmul.f32 v26, v21;
	v20 =	vld [tilespmem:s2+$0x110];
	v24 =	vmul.f32 v24, v10  }
0xf1: {  	v33 =	vld [tilespmem:s2+$0x2110];
	v25 =	vmul.f32 v25, v21;
	v22 =	vadd.f32 v23, v22;
	v15 =	vadd.f32 v17, v15  }
0xf2: {  	v18 =	vmul.f32 v18, v9;
	v17 =	vld [tilespmem:s2+$0x100];
	v23 =	vmul.f32 v30, v10;
	v24 =	vadd.f32 v24, v26  }
0xf3: {  	v26 =	vld [tilespmem:s2+$0x2100];
	v30 =	vmul.f32 v31, v10;
	[tilespmem:s9+$0x6D40] =	vst v15  }
0xf4: {  	v15 =	vmul.f32 v28, v21;
	v22 =	vadd.f32 v18, v22;
	v28 =	vmul.f32 v32, v9;
	v18 =	vld [tilespmem:s14+$0x150]  }
0xf5: {  	v23 =	vadd.f32 v23, v25;
	v25 =	vadd.f32 v27, v24;
	v20 =	vmul.f32 v20, v21;
	v27 =	vld [tilespmem:s13+$0x150]  }
0xf6: {  	v15 =	vadd.f32 v30, v15;
	v24 =	vmul.f32 v33, v10;
	v30 =	vld [tilespmem:s2+$0x160]  }
0xf7: {  	v17 =	vmul.f32 v17, v21;
	v31 =	vld [tilespmem:s2+$0x2160]  }
0xf8: {  	v33 =	vadd.f32 v19, v15;
	v26 =	vmul.f32 v26, v10;
	v20 =	vadd.f32 v24, v20;
	v32 =	vld [tilespmem:s2+$0x2120]  }
0xf9: {  	v15 =	vmul.f32 v13, v4;
	v24 =	vld [tilespmem:s2+$0x2960];
	v18 =	vmul.f32 v18, v5  }
0xfa: {  	v19 =	vmul.f32 v12, v9;
	v17 =	vadd.f32 v26, v17;
	v13 =	vld [tilespmem:s2+$0x4950]  }
0xfb: {  	v26 =	vmul.f32 v30, v21;
	v12 =	vld [tilespmem:s2+$0x4960];
	v15 =	vadd.f32 v18, v15;
	v18 =	vmul.f32 v27, v3  }
0xfc: {  	v27 =	vadd.f32 v19, v17;
	v17 =	vmul.f32 v31, v10;
	v19 =	vld [tilespmem:s2+$0x970]  }
0xfd: {  	v14 =	vmul.f32 v14, v21;
	v30 =	vmul.f32 v32, v10;
	v31 =	vld [tilespmem:s2+$0x2970];
	v15 =	vadd.f32 v18, v15  }
0xfe: {  	v18 =	vld [tilespmem:s2+$0x4110];
	v26 =	vadd.f32 v17, v26  }
0xff: {  	v30 =	vadd.f32 v30, v14;
	v17 =	vld [tilespmem:s2+$0x4120];
	[tilespmem:s9+$0x6D50] =	vst v15  }
0x100: {  	v32 =	vld [tilespmem:s14+$0x160]  }
0x101: {  	v19 =	vmul.f32 v19, v21;
	v34 =	vld [tilespmem:s13+$0x160]  }
0x102: {  	v31 =	vmul.f32 v31, v10;
	v15 =	vld [tilespmem:s2+$0x4970]  }
0x103: {  	v16 =	vmul.f32 v16, v4;
	v14 =	vld [tilespmem:s2+$0x570]  }
0x104: {  	v23 =	vadd.f32 v28, v23;
	v35 =	vmul.f32 v17, v9;
	v28 =	vld [tilespmem:s2+$0x900];
	v17 =	vadd.f32 v31, v19  }
0x105: {  	v18 =	vmul.f32 v18, v9;
	v19 =	vld [tilespmem:s2+$0x2900];
	v31 =	vmul.f32 v32, v5  }
0x106: {  	v30 =	vadd.f32 v35, v30;
	v32 =	vld [tilespmem:s2+$0x910];
	v34 =	vmul.f32 v34, v3  }
0x107: {  	v35 =	vadd.f32 v18, v20;
	v18 =	vld [tilespmem:s2+$0x2910];
	v16 =	vadd.f32 v31, v16  }
0x108: {  	v31 =	vld [tilespmem:s2+$0x500]  }
0x109: {  	v20 =	vmul.f32 v28, v21;
	v28 =	vld [tilespmem:s2+$0x920];
	v16 =	vadd.f32 v34, v16  }
0x10a: {  	v19 =	vmul.f32 v19, v10;
	v34 =	vld [tilespmem:s2+$0x2920]  }
0x10b: {  	v32 =	vmul.f32 v32, v21;
	v36 =	vld [tilespmem:s2+$0x930];
	[tilespmem:s9+$0x6D60] =	vst v16  }
0x10c: {  	v19 =	vadd.f32 v19, v20;
	v16 =	vmul.f32 v18, v10;
	v37 =	vld [tilespmem:s14+$0x170]  }
0x10d: {  	v38 =	vld [tilespmem:s13+$0x170]  }
0x10e: {  	v26 =	vadd.f32 v29, v26;
	v20 =	vadd.f32 v16, v32;
	v28 =	vmul.f32 v28, v21;
	v18 =	vld [tilespmem:s2+$0xD00]  }
0x10f: {  	[tilespmem:s2+$0x6170] =	vst v25;
	v25 =	vmul.f32 v34, v10;
	v29 =	vld [tilespmem:s2+$0x2930]  }
0x110: {  	[tilespmem:s2+$0x6160] =	vst v26;
	v16 =	vld [tilespmem:s2+$0xD10];
	v26 =	vmul.f32 v11, v4;
	v4 =	vmov v21  }
0x111: {  	[tilespmem:s2+$0x6150] =	vst v22;
	v11 =	vadd.f32 v25, v28;
	v21 =	vmul.f32 v36, v4;
	v22 =	vld [tilespmem:s2+$0x940];
	v25 =	vmul.f32 v37, v5  }
0x112: {  	v28 =	vmul.f32 v31, v4;
	v5 =	vmovc v10;
	[tilespmem:s2+$0x6140] =	vst v23;
	v23 =	vld [tilespmem:s2+$0x2940];
	v31 =	vmul.f32 v38, v3;
	v3 =	vmov v9  }
0x113: {  	[tilespmem:s2+$0x6130] =	vst v33;
	v9 =	vld [tilespmem:s2+$0xD20];
	v10 =	vadd.f32 v25, v26  }
0x114: {  	[tilespmem:s2+$0x6120] =	vst v30;
	v25 =	vmul.f32 v29, v5;
	v26 =	vld [tilespmem:s2+$0x950]  }
0x115: {  	s13 =	sand.u32 $0xFFFFF000, s1;
	[tilespmem:s2+$0x6110] =	vst v35;
	v29 =	vld [tilespmem:s2+$0x2950];
	v30 =	vadd.f32 v31, v10  }
0x116: {  	s13 =	sadd.s32 s13, s31;
	[tilespmem:s2+$0x6100] =	vst v27;
	v27 =	vld [tilespmem:s2+$0x510];
	v10 =	vadd.f32 v25, v21;
	v21 =	vmul.f32 v22, v4  }
0x117: {  	s14 =	sor.u32 $0x4400, s13;
	v22 =	vmul.f32 v23, v5;
	v25 =	vld [tilespmem:s2+$0x960];
	[tilespmem:s9+$0x6D70] =	vst v30;
	s9 =	smov.u32 s2  }
0x118: {  	s2 =	sor.u32 $0x2400, s13;
	v30 =	vld [tilespmem:s14+$0x100]  }
0x119: {  	v31 =	vld [tilespmem:s2+$0x100];
	v22 =	vadd.f32 v22, v21;
	v21 =	vmul.f32 v26, v4  }
0x11a: {  	v23 =	vmul.f32 v29, v5;
	_ =	sdelay $0x1  }
0x11b: {  	v24 =	vmul.f32 v24, v5;
	v23 =	vadd.f32 v23, v21;
	v21 =	vmul.f32 v25, v4;
	_ =	sdelay $0x1  }
0x11c: {  	v26 =	vmul.f32 v27, v4;
	v25 =	vmul.f32 v31, v5;
	v21 =	vadd.f32 v24, v21;
	_ =	sdelay $0x1  }
0x11d: {  	v24 =	vadd.f32 v25, v28;
	v25 =	vmul.f32 v30, v3;
	_ =	sdelay $0x1  }
0x11e: {  	v24 =	vadd.f32 v25, v24;
	_ =	sdelay $0x1  }
0x11f: {  	[tilespmem:s9+$0x6500] =	vst v24;
	v24 =	vld [tilespmem:s9+$0x520]  }
0x120: {  	v25 =	vld [tilespmem:s2+$0x110];
	_ =	sdelay $0x1  }
0x121: {  	v27 =	vld [tilespmem:s14+$0x110];
	_ =	sdelay $0x2  }
0x122: {  	v24 =	vmul.f32 v24, v4;
	v25 =	vmul.f32 v25, v5;
	_ =	sdelay $0x1  }
0x123: {  	v25 =	vadd.f32 v25, v26;
	v26 =	vmul.f32 v27, v3;
	_ =	sdelay $0x1  }
0x124: {  	v25 =	vadd.f32 v26, v25;
	_ =	sdelay $0x1  }
0x125: {  	[tilespmem:s9+$0x6510] =	vst v25;
	v25 =	vld [tilespmem:s9+$0x530]  }
0x126: {  	v26 =	vld [tilespmem:s2+$0x120];
	_ =	sdelay $0x1  }
0x127: {  	v27 =	vld [tilespmem:s14+$0x120];
	_ =	sdelay $0x2  }
0x128: {  	v25 =	vmul.f32 v25, v4;
	v26 =	vmul.f32 v26, v5;
	_ =	sdelay $0x1  }
0x129: {  	v24 =	vadd.f32 v26, v24;
	v26 =	vmul.f32 v27, v3;
	_ =	sdelay $0x1  }
0x12a: {  	v24 =	vadd.f32 v26, v24;
	_ =	sdelay $0x1  }
0x12b: {  	[tilespmem:s9+$0x6520] =	vst v24;
	v24 =	vld [tilespmem:s9+$0x540]  }
0x12c: {  	v26 =	vld [tilespmem:s2+$0x130];
	_ =	sdelay $0x1  }
0x12d: {  	v27 =	vld [tilespmem:s14+$0x130];
	_ =	sdelay $0x2  }
0x12e: {  	v24 =	vmul.f32 v24, v4;
	v26 =	vmul.f32 v26, v5;
	_ =	sdelay $0x1  }
0x12f: {  	v25 =	vadd.f32 v26, v25;
	v26 =	vmul.f32 v27, v3;
	_ =	sdelay $0x1  }
0x130: {  	v25 =	vadd.f32 v26, v25;
	_ =	sdelay $0x1  }
0x131: {  	[tilespmem:s9+$0x6530] =	vst v25;
	v25 =	vld [tilespmem:s9+$0x550]  }
0x132: {  	v26 =	vld [tilespmem:s2+$0x140];
	_ =	sdelay $0x1  }
0x133: {  	v27 =	vld [tilespmem:s14+$0x140];
	_ =	sdelay $0x2  }
0x134: {  	v25 =	vmul.f32 v25, v4;
	v26 =	vmul.f32 v26, v5;
	_ =	sdelay $0x1  }
0x135: {  	v24 =	vadd.f32 v26, v24;
	v26 =	vmul.f32 v27, v3;
	_ =	sdelay $0x1  }
0x136: {  	v24 =	vadd.f32 v26, v24;
	_ =	sdelay $0x1  }
0x137: {  	[tilespmem:s9+$0x6540] =	vst v24;
	v24 =	vld [tilespmem:s9+$0x560]  }
0x138: {  	v26 =	vld [tilespmem:s2+$0x150];
	_ =	sdelay $0x1  }
0x139: {  	v27 =	vld [tilespmem:s14+$0x150];
	_ =	sdelay $0x2  }
0x13a: {  	v24 =	vmul.f32 v24, v4;
	v26 =	vmul.f32 v26, v5;
	v28 =	vld [tilespmem:s9+$0x4900]  }
0x13b: {  	v29 =	vld [tilespmem:s9+$0x4910]  }
0x13c: {  	v25 =	vadd.f32 v26, v25;
	v26 =	vmul.f32 v27, v3;
	v27 =	vld [tilespmem:s9+$0x4920]  }
0x13d: {  	v30 =	vld [tilespmem:s9+$0x4930]  }
0x13e: {  	v25 =	vadd.f32 v26, v25;
	v26 =	vld [tilespmem:s9+$0x4940]  }
0x13f: {  	v28 =	vmul.f32 v28, v3  }
0x140: {  	[tilespmem:s9+$0x6550] =	vst v25;
	v25 =	vmul.f32 v29, v3  }
0x141: {  	v29 =	vld [tilespmem:s2+$0x160];
	v19 =	vadd.f32 v28, v19;
	v27 =	vmul.f32 v27, v3  }
0x142: {  	v20 =	vadd.f32 v25, v20;
	v25 =	vmul.f32 v30, v3  }
0x143: {  	v28 =	vld [tilespmem:s14+$0x160];
	v11 =	vadd.f32 v27, v11;
	v26 =	vmul.f32 v26, v3  }
0x144: {  	v13 =	vmul.f32 v13, v3;
	v10 =	vadd.f32 v25, v10  }
0x145: {  	v22 =	vadd.f32 v26, v22  }
0x146: {  	v13 =	vadd.f32 v13, v23;
	v25 =	vmul.f32 v29, v5;
	_ =	sdelay $0x1  }
0x147: {  	v23 =	vadd.f32 v25, v24;
	v24 =	vmul.f32 v28, v3;
	_ =	sdelay $0x1  }
0x148: {  	v23 =	vadd.f32 v24, v23;
	_ =	sdelay $0x1  }
0x149: {  	v12 =	vmul.f32 v12, v3;
	[tilespmem:s9+$0x6560] =	vst v23  }
0x14a: {  	v23 =	vld [tilespmem:s2+$0x170]  }
0x14b: {  	v12 =	vadd.f32 v12, v21  }
0x14c: {  	v21 =	vld [tilespmem:s14+$0x170]  }
0x14d: {  	[tilespmem:s9+$0x6960] =	vst v12  }
0x14e: {  	v12 =	vmul.f32 v15, v3;
	[tilespmem:s9+$0x6900] =	vst v19  }
0x14f: {  	v14 =	vmul.f32 v14, v4;
	v15 =	vmul.f32 v23, v5;
	[tilespmem:s9+$0x6910] =	vst v20  }
0x150: {  	[tilespmem:s9+$0x6930] =	vst v10;
	v10 =	vadd.f32 v12, v17  }
0x151: {  	v12 =	vadd.f32 v15, v14;
	v14 =	vmul.f32 v21, v3;
	[tilespmem:s9+$0x6940] =	vst v22  }
0x152: {  	[tilespmem:s9+$0x6970] =	vst v10  }
0x153: {  	v10 =	vadd.f32 v14, v12;
	[tilespmem:s9+$0x6920] =	vst v11  }
0x154: {  	[tilespmem:s9+$0x6950] =	vst v13  }
0x155: {  	s14 =	sor.u32 $0x2C00, s13;
	[tilespmem:s9+$0x6570] =	vst v10  }
0x156: {  	v10 =	vld [tilespmem:s14+$0x100]  }
0x157: {  	s13 =	sor.u32 $0x4C00, s13  }
0x158: {  	v11 =	vld [tilespmem:s13+$0x100];
	_ =	sdelay $0x2  }
0x159: {  	v12 =	vmul.f32 v18, v4;
	v10 =	vmul.f32 v10, v5;
	_ =	sdelay $0x1  }
0x15a: {  	v10 =	vadd.f32 v10, v12;
	v11 =	vmul.f32 v11, v3;
	_ =	sdelay $0x1  }
0x15b: {  	v10 =	vadd.f32 v11, v10;
	_ =	sdelay $0x1  }
0x15c: {  	[tilespmem:s9+$0x6D00] =	vst v10  }
0x15d: {  	v10 =	vld [tilespmem:s14+$0x110]  }
0x15e: {  	v11 =	vld [tilespmem:s13+$0x110];
	_ =	sdelay $0x3  }
0x15f: {  	v12 =	vmul.f32 v16, v4;
	v10 =	vmul.f32 v10, v5;
	_ =	sdelay $0x1  }
0x160: {  	v11 =	vmul.f32 v11, v3;
	v10 =	vadd.f32 v10, v12;
	_ =	sdelay $0x1  }
0x161: {  	v10 =	vadd.f32 v11, v10;
	_ =	sdelay $0x1  }
0x162: {  	[tilespmem:s9+$0x6D10] =	vst v10  }
0x163: {  	v10 =	vld [tilespmem:s14+$0x120]  }
0x164: {  	v11 =	vld [tilespmem:s13+$0x120];
	_ =	sdelay $0x3  }
0x165: {  	v9 =	vmul.f32 v9, v4;
	v10 =	vmul.f32 v10, v5;
	_ =	sdelay $0x1  }
0x166: {  	v9 =	vadd.f32 v10, v9;
	v10 =	vmul.f32 v11, v3  }
0x167: {  	v11 =	vld [tilespmem:s9+$0xD70]  }
0x168: {  	v9 =	vadd.f32 v10, v9;
	v16 =	vld [tilespmem:s9+$0xD60]  }
0x169: {  	v13 =	vld [tilespmem:s9+$0xD50]  }
0x16a: {  	[tilespmem:s9+$0x6D20] =	vst v9;
	v9 =	vld [tilespmem:s9+$0xD30]  }
0x16b: {  	s1 =	sadd.s32 $0x200, s1;
	s31 =	sadd.s32 $0x80, s31;
	v10 =	vld [tilespmem:s14+$0x130]  }
0x16c: {  	s15 =	sand.u32 $0x380, s31;
	s2 =	sand.u32 $0x1000, s1;
	v17 =	vld [tilespmem:s13+$0x130]  }
0x16d: {  	s2 =	sor.u32 s15, s2;
	v15 =	vld [tilespmem:s9+$0xD40]  }
0x16e: {  	v18 =	vld [tilespmem:s2+$0x4150]  }
0x16f: {  	v14 =	vld [tilespmem:s2+$0x120]  }
0x170: {  	v9 =	vmul.f32 v9, v4;
	v26 =	vld [tilespmem:s2+$0x170];
	v10 =	vmul.f32 v10, v5  }
0x171: {  	v12 =	vld [tilespmem:s2+$0x4100]  }
0x172: {  	v19 =	vmov s12;
	v29 =	vld [tilespmem:s2+$0x4160];
	v9 =	vadd.f32 v10, v9;
	v10 =	vmul.f32 v17, v3  }
.Ltmp0:
0x173: {  	v17 =	vand.u32 $0xF, v19;
	v30 =	vld [tilespmem:s2+$0x4130];
	(pc) =	sbr.rel @p0 .LBB2_3-.Ltmp0, $4  }
0x174: {  	v25 =	vbroadcast v17, $0x0;
	v27 =	vld [tilespmem:s2+$0x4170];
	v17 =	vadd.f32 v10, v9  }
0x175: {  	v31 =	vld [tilespmem:s2+$0x2150]  }
0x176: {  	v10 =	vperm.xlane v7, v25;
	v9 =	vperm.xlane v8, v25;
	v28 =	vld [tilespmem:s2+$0x130];
	[tilespmem:s9+$0x6D30] =	vst v17  }
0x177: {  	v17 =	vld [tilespmem:s14+$0x140]  }
0x178: {  	v7 =	vld [tilespmem:s13+$0x140]  }
0x179: {  	v32 =	vld [tilespmem:s2+$0x150]  }
0x17a: {  	v33 =	vld [tilespmem:s2+$0x2170]  }
0x17b: {  	v34 =	vld [tilespmem:s2+$0x140]  }
0x17c: {  	v35 =	vld [tilespmem:s2+$0x2140];
	v8 =	vmul.f32 v15, v4;
	v57 =	vmul.f32 v17, v5  }
0x17d: {  	v36 =	vld [tilespmem:s2+$0x2130]  }
0x17e: {  	v37 =	vld [tilespmem:s2+$0x4140];
	v7 =	vmul.f32 v7, v3;
	v8 =	vadd.f32 v57, v8  }
0x17f: {  	v38 =	vld [tilespmem:s2+$0x110]  }
0x180: {  	v39 =	vld [tilespmem:s2+$0x2110];
	v7 =	vadd.f32 v7, v8  }
0x181: {  	v40 =	vld [tilespmem:s2+$0x100]  }
0x182: {  	v41 =	vld [tilespmem:s2+$0x2100];
	[tilespmem:s9+$0x6D40] =	vst v7  }
0x183: {  	v7 =	vld [tilespmem:s14+$0x150]  }
0x184: {  	v58 =	vld [tilespmem:s13+$0x150]  }
0x185: {  	v42 =	vld [tilespmem:s2+$0x160]  }
0x186: {  	v43 =	vld [tilespmem:s2+$0x2160]  }
0x187: {  	v44 =	vld [tilespmem:s2+$0x2120]  }
0x188: {  	v13 =	vmul.f32 v13, v4;
	v17 =	vld [tilespmem:s2+$0x2960];
	v19 =	vmul.f32 v7, v5  }
0x189: {  	v15 =	vld [tilespmem:s2+$0x4960]  }
0x18a: {  	v20 =	vld [tilespmem:s2+$0x2970];
	v8 =	vmul.f32 v58, v3;
	v13 =	vadd.f32 v19, v13  }
0x18b: {  	v45 =	vld [tilespmem:s2+$0x4110]  }
0x18c: {  	v46 =	vld [tilespmem:s2+$0x4120];
	v8 =	vadd.f32 v8, v13  }
0x18d: {  	v7 =	vld [tilespmem:s2+$0x4950]  }
0x18e: {  	v19 =	vld [tilespmem:s2+$0x970];
	[tilespmem:s9+$0x6D50] =	vst v8  }
0x18f: {  	v21 =	vld [tilespmem:s14+$0x160]  }
0x190: {  	v16 =	vmul.f32 v16, v4;
	v47 =	vld [tilespmem:s13+$0x160]  }
0x191: {  	v6 =	vperm.xlane v6, v25;
	v29 =	vmul.f32 v29, v9;
	v13 =	vld [tilespmem:s2+$0x4970]  }
0x192: {  	v18 =	vmul.f32 v18, v9;
	v30 =	vmul.f32 v30, v9;
	v8 =	vld [tilespmem:s2+$0x570]  }
0x193: {  	v12 =	vmul.f32 v12, v9;
	v59 =	vmul.f32 v27, v9;
	v23 =	vld [tilespmem:s2+$0x900]  }
0x194: {  	v49 =	vmul.f32 v26, v6;
	v24 =	vld [tilespmem:s2+$0x2900];
	v48 =	vmul.f32 v21, v5  }
0x195: {  	v60 =	vmul.f32 v31, v10;
	v14 =	vmul.f32 v14, v6;
	v22 =	vld [tilespmem:s2+$0x2910]  }
0x196: {  	v28 =	vmul.f32 v28, v6;
	v25 =	vld [tilespmem:s2+$0x920];
	v47 =	vmul.f32 v47, v3;
	v16 =	vadd.f32 v48, v16  }
0x197: {  	v42 =	vmul.f32 v42, v6;
	v43 =	vmul.f32 v43, v10;
	v26 =	vld [tilespmem:s2+$0x2920]  }
0x198: {  	v33 =	vmul.f32 v33, v10;
	v61 =	vmul.f32 v32, v6;
	v27 =	vld [tilespmem:s2+$0x930];
	v16 =	vadd.f32 v47, v16  }
0x199: {  	v34 =	vmul.f32 v34, v6;
	v35 =	vmul.f32 v35, v10;
	v42 =	vadd.f32 v43, v42;
	v21 =	vld [tilespmem:s2+$0x910]  }
0x19a: {  	v53 =	vmul.f32 v40, v6;
	v54 =	vmul.f32 v41, v10;
	v33 =	vadd.f32 v33, v49;
	v48 =	vld [tilespmem:s2+$0x500];
	[tilespmem:s9+$0x6D60] =	vst v16  }
0x19b: {  	v31 =	vadd.f32 v60, v61;
	v29 =	vadd.f32 v29, v42;
	v42 =	vmul.f32 v36, v10;
	v62 =	vld [tilespmem:s14+$0x170]  }
0x19c: {  	v50 =	vmul.f32 v38, v6;
	v34 =	vadd.f32 v35, v34;
	v33 =	vadd.f32 v59, v33;
	v63 =	vld [tilespmem:s13+$0x170]  }
0x19d: {  	v51 =	vmul.f32 v39, v10;
	v56 =	vadd.f32 v54, v53;
	v28 =	vadd.f32 v42, v28;
	v16 =	vld [tilespmem:s2+$0xD00]  }
0x19e: {  	v31 =	vadd.f32 v18, v31;
	v49 =	vmul.f32 v44, v10;
	v47 =	vmul.f32 v37, v9;
	[tilespmem:s2+$0x6170] =	vst v33;
	v36 =	vld [tilespmem:s2+$0x2930]  }
0x19f: {  	v52 =	vmul.f32 v46, v9;
	v58 =	vmul.f32 v11, v4;
	v28 =	vadd.f32 v30, v28;
	[tilespmem:s2+$0x6160] =	vst v29;
	v18 =	vld [tilespmem:s2+$0xD10]  }
0x1a0: {  	v14 =	vadd.f32 v49, v14;
	v29 =	vadd.f32 v47, v34;
	[tilespmem:s2+$0x6150] =	vst v31;
	v35 =	vld [tilespmem:s2+$0x940];
	v59 =	vmul.f32 v62, v5  }
0x1a1: {  	v12 =	vadd.f32 v12, v56;
	v55 =	vmul.f32 v45, v9;
	v31 =	vadd.f32 v51, v50;
	v33 =	vld [tilespmem:s2+$0x2940];
	[tilespmem:s2+$0x6130] =	vst v28  }
0x1a2: {  	v11 =	vld [tilespmem:s2+$0x950];
	[tilespmem:s2+$0x6140] =	vst v29;
	v29 =	vadd.f32 v52, v14;
	v3 =	vmul.f32 v63, v3;
	v4 =	vadd.f32 v59, v58  }
0x1a3: {  	[tilespmem:s2+$0x6100] =	vst v12;
	v60 =	vld [tilespmem:s2+$0x510];
	v57 =	vadd.f32 v55, v31  }
0x1a4: {  	s1 =	sand.u32 $0xFFFFF000, s1;
	v12 =	vld [tilespmem:s2+$0x960];
	[tilespmem:s2+$0x6120] =	vst v29;
	v3 =	vadd.f32 v3, v4  }
0x1a5: {  	s1 =	sadd.s32 s1, s31;
	v14 =	vld [tilespmem:s2+$0xD20];
	[tilespmem:s2+$0x6110] =	vst v57  }
0x1a6: {  	s11 =	sor.u32 $0x2400, s1;
	v5 =	vld [tilespmem:s2+$0x2950];
	[tilespmem:s9+$0x6D70] =	vst v3  }
0x1a7: {  	v3 =	vld [tilespmem:s11+$0x100]  }
0x1a8: {  	s12 =	sor.u32 $0x4400, s1  }
0x1a9: {  	v61 =	vld [tilespmem:s12+$0x100];
	_ =	sdelay $0x2  }
0x1aa: {  	v62 =	vmul.f32 v48, v6;
	v3 =	vmul.f32 v3, v10;
	_ =	sdelay $0x1  }
0x1ab: {  	v28 =	vmul.f32 v61, v9;
	v3 =	vadd.f32 v3, v62;
	_ =	sdelay $0x1  }
0x1ac: {  	v3 =	vadd.f32 v28, v3;
	_ =	sdelay $0x1  }
0x1ad: {  	[tilespmem:s2+$0x6500] =	vst v3  }
0x1ae: {  	v3 =	vld [tilespmem:s11+$0x110];
	_ =	sdelay $0x1  }
0x1af: {  	v63 =	vld [tilespmem:s12+$0x110];
	_ =	sdelay $0x2  }
0x1b0: {  	v4 =	vmul.f32 v60, v6;
	v3 =	vmul.f32 v3, v10;
	_ =	sdelay $0x1  }
0x1b1: {  	v32 =	vmul.f32 v63, v9;
	v3 =	vadd.f32 v3, v4;
	_ =	sdelay $0x1  }
0x1b2: {  	v3 =	vadd.f32 v32, v3;
	_ =	sdelay $0x1  }
0x1b3: {  	v34 =	vld [tilespmem:s2+$0x520];
	[tilespmem:s2+$0x6510] =	vst v3  }
0x1b4: {  	v3 =	vld [tilespmem:s11+$0x120];
	_ =	sdelay $0x1  }
0x1b5: {  	v37 =	vld [tilespmem:s12+$0x120];
	_ =	sdelay $0x2  }
0x1b6: {  	v4 =	vmul.f32 v34, v6;
	v3 =	vmul.f32 v3, v10;
	_ =	sdelay $0x1  }
0x1b7: {  	v38 =	vmul.f32 v37, v9;
	v3 =	vadd.f32 v3, v4;
	_ =	sdelay $0x1  }
0x1b8: {  	v3 =	vadd.f32 v38, v3;
	_ =	sdelay $0x1  }
0x1b9: {  	v39 =	vld [tilespmem:s2+$0x530];
	[tilespmem:s2+$0x6520] =	vst v3  }
0x1ba: {  	v3 =	vld [tilespmem:s11+$0x130];
	_ =	sdelay $0x1  }
0x1bb: {  	v40 =	vld [tilespmem:s12+$0x130];
	_ =	sdelay $0x2  }
0x1bc: {  	v4 =	vmul.f32 v39, v6;
	v3 =	vmul.f32 v3, v10;
	_ =	sdelay $0x1  }
0x1bd: {  	v41 =	vmul.f32 v40, v9;
	v3 =	vadd.f32 v3, v4;
	_ =	sdelay $0x1  }
0x1be: {  	v3 =	vadd.f32 v41, v3;
	_ =	sdelay $0x1  }
0x1bf: {  	v42 =	vld [tilespmem:s2+$0x540];
	[tilespmem:s2+$0x6530] =	vst v3  }
0x1c0: {  	v3 =	vld [tilespmem:s11+$0x140];
	_ =	sdelay $0x1  }
0x1c1: {  	v43 =	vld [tilespmem:s12+$0x140];
	_ =	sdelay $0x2  }
0x1c2: {  	v4 =	vmul.f32 v42, v6;
	v3 =	vmul.f32 v3, v10;
	_ =	sdelay $0x1  }
0x1c3: {  	v44 =	vmul.f32 v43, v9;
	v3 =	vadd.f32 v3, v4;
	_ =	sdelay $0x1  }
0x1c4: {  	v3 =	vadd.f32 v44, v3;
	_ =	sdelay $0x1  }
0x1c5: {  	v45 =	vld [tilespmem:s2+$0x550];
	[tilespmem:s2+$0x6540] =	vst v3  }
0x1c6: {  	v3 =	vld [tilespmem:s11+$0x150];
	_ =	sdelay $0x1  }
0x1c7: {  	v46 =	vld [tilespmem:s12+$0x150];
	_ =	sdelay $0x2  }
0x1c8: {  	v4 =	vmul.f32 v45, v6;
	v3 =	vmul.f32 v3, v10;
	_ =	sdelay $0x1  }
0x1c9: {  	v50 =	vmul.f32 v46, v9;
	v3 =	vadd.f32 v3, v4;
	_ =	sdelay $0x1  }
0x1ca: {  	v3 =	vadd.f32 v50, v3;
	_ =	sdelay $0x1  }
0x1cb: {  	v47 =	vld [tilespmem:s2+$0x560];
	[tilespmem:s2+$0x6550] =	vst v3  }
0x1cc: {  	v3 =	vld [tilespmem:s11+$0x160];
	_ =	sdelay $0x1  }
0x1cd: {  	v20 =	vmul.f32 v20, v10;
	v54 =	vld [tilespmem:s12+$0x160]  }
0x1ce: {  	v17 =	vmul.f32 v17, v10;
	v7 =	vmul.f32 v7, v9  }
0x1cf: {  	v19 =	vmul.f32 v19, v6;
	v23 =	vmul.f32 v23, v6  }
0x1d0: {  	v29 =	vmul.f32 v47, v6;
	v3 =	vmul.f32 v3, v10  }
0x1d1: {  	v24 =	vmul.f32 v24, v10;
	v56 =	vmul.f32 v22, v10;
	v48 =	vld [tilespmem:s2+$0x4900]  }
0x1d2: {  	v8 =	vmul.f32 v8, v6;
	v49 =	vld [tilespmem:s2+$0x4910];
	v58 =	vmul.f32 v54, v9;
	v3 =	vadd.f32 v3, v29  }
0x1d3: {  	v19 =	vadd.f32 v20, v19;
	v55 =	vmul.f32 v21, v6;
	v57 =	vmul.f32 v25, v6;
	v52 =	vld [tilespmem:s2+$0x4930]  }
0x1d4: {  	v12 =	vmul.f32 v12, v6;
	v11 =	vmul.f32 v11, v6;
	v3 =	vadd.f32 v58, v3  }
0x1d5: {  	v23 =	vadd.f32 v24, v23;
	v60 =	vmul.f32 v27, v6;
	v53 =	vld [tilespmem:s2+$0x4940];
	v61 =	vmul.f32 v36, v10  }
0x1d6: {  	v20 =	vadd.f32 v56, v55;
	v62 =	vmul.f32 v35, v6;
	v34 =	vmul.f32 v48, v9;
	[tilespmem:s2+$0x6560] =	vst v3  }
0x1d7: {  	v12 =	vadd.f32 v17, v12;
	v63 =	vmul.f32 v33, v10;
	v37 =	vmul.f32 v49, v9;
	v35 =	vld [tilespmem:s11+$0x170]  }
0x1d8: {  	v51 =	vld [tilespmem:s2+$0x4920];
	v33 =	vadd.f32 v61, v60;
	v39 =	vmul.f32 v52, v9;
	v38 =	vadd.f32 v34, v23  }
0x1d9: {  	v5 =	vmul.f32 v5, v10;
	v20 =	vadd.f32 v37, v20;
	v3 =	vmul.f32 v15, v9;
	v40 =	vld [tilespmem:s12+$0x170]  }
0x1da: {  	v36 =	vadd.f32 v63, v62;
	v17 =	vadd.f32 v39, v33;
	v4 =	vmul.f32 v53, v9;
	[tilespmem:s2+$0x6900] =	vst v38  }
0x1db: {  	v59 =	vmul.f32 v26, v10;
	v41 =	vmul.f32 v13, v9;
	[tilespmem:s2+$0x6910] =	vst v20;
	v3 =	vadd.f32 v3, v12  }
0x1dc: {  	v5 =	vadd.f32 v5, v11;
	v4 =	vadd.f32 v4, v36;
	[tilespmem:s2+$0x6930] =	vst v17;
	v42 =	vmul.f32 v35, v10  }
0x1dd: {  	v43 =	vadd.f32 v41, v19;
	v29 =	vadd.f32 v59, v57;
	[tilespmem:s2+$0x6960] =	vst v3;
	v3 =	vmul.f32 v51, v9  }
0x1de: {  	v45 =	vadd.f32 v7, v5;
	[tilespmem:s2+$0x6940] =	vst v4;
	v44 =	vmul.f32 v40, v9;
	v8 =	vadd.f32 v42, v8  }
0x1df: {  	[tilespmem:s2+$0x6970] =	vst v43;
	v3 =	vadd.f32 v3, v29  }
0x1e0: {  	[tilespmem:s2+$0x6950] =	vst v45;
	v46 =	vadd.f32 v44, v8  }
0x1e1: {  	[tilespmem:s2+$0x6920] =	vst v3  }
0x1e2: {  	s13 =	sor.u32 $0x2C00, s1;
	[tilespmem:s2+$0x6570] =	vst v46  }
0x1e3: {  	v3 =	vld [tilespmem:s13+$0x100]  }
0x1e4: {  	s1 =	sor.u32 $0x4C00, s1  }
0x1e5: {  	v4 =	vld [tilespmem:s1+$0x100];
	_ =	sdelay $0x2  }
0x1e6: {  	v47 =	vmul.f32 v16, v6;
	v3 =	vmul.f32 v3, v10;
	_ =	sdelay $0x1  }
0x1e7: {  	v4 =	vmul.f32 v4, v9;
	v3 =	vadd.f32 v3, v47;
	_ =	sdelay $0x1  }
0x1e8: {  	v3 =	vadd.f32 v4, v3;
	_ =	sdelay $0x1  }
0x1e9: {  	[tilespmem:s2+$0x6D00] =	vst v3  }
0x1ea: {  	v3 =	vld [tilespmem:s13+$0x110];
	_ =	sdelay $0x1  }
0x1eb: {  	v48 =	vld [tilespmem:s1+$0x110];
	_ =	sdelay $0x2  }
0x1ec: {  	v49 =	vmul.f32 v18, v6;
	v3 =	vmul.f32 v3, v10;
	_ =	sdelay $0x1  }
0x1ed: {  	v4 =	vmul.f32 v48, v9;
	v3 =	vadd.f32 v3, v49;
	_ =	sdelay $0x1  }
0x1ee: {  	v3 =	vadd.f32 v4, v3;
	_ =	sdelay $0x1  }
0x1ef: {  	[tilespmem:s2+$0x6D10] =	vst v3  }
0x1f0: {  	v3 =	vld [tilespmem:s13+$0x120];
	_ =	sdelay $0x1  }
0x1f1: {  	v50 =	vld [tilespmem:s1+$0x120];
	_ =	sdelay $0x2  }
0x1f2: {  	v51 =	vmul.f32 v14, v6;
	v3 =	vmul.f32 v3, v10;
	_ =	sdelay $0x1  }
0x1f3: {  	v4 =	vmul.f32 v50, v9;
	v3 =	vadd.f32 v3, v51;
	_ =	sdelay $0x1  }
0x1f4: {  	v3 =	vadd.f32 v4, v3;
	_ =	sdelay $0x1  }
0x1f5: {  	[tilespmem:s2+$0x6D20] =	vst v3;
	v3 =	vld [tilespmem:s2+$0xD30]  }
0x1f6: {  	v55 =	vld [tilespmem:s13+$0x130];
	_ =	sdelay $0x1  }
0x1f7: {  	v11 =	vld [tilespmem:s1+$0x130];
	_ =	sdelay $0x2  }
0x1f8: {  	v3 =	vmul.f32 v3, v6;
	v8 =	vmul.f32 v55, v10;
	_ =	sdelay $0x1  }
0x1f9: {  	v56 =	vmul.f32 v11, v9;
	v3 =	vadd.f32 v8, v3;
	_ =	sdelay $0x1  }
0x1fa: {  	v3 =	vadd.f32 v56, v3;
	_ =	sdelay $0x1  }
0x1fb: {  	v57 =	vld [tilespmem:s2+$0xD40];
	[tilespmem:s2+$0x6D30] =	vst v3  }
0x1fc: {  	v3 =	vld [tilespmem:s13+$0x140];
	_ =	sdelay $0x1  }
0x1fd: {  	v58 =	vld [tilespmem:s1+$0x140];
	_ =	sdelay $0x2  }
0x1fe: {  	v8 =	vmul.f32 v57, v6;
	v3 =	vmul.f32 v3, v10;
	_ =	sdelay $0x1  }
0x1ff: {  	v59 =	vmul.f32 v58, v9;
	v3 =	vadd.f32 v3, v8;
	_ =	sdelay $0x1  }
0x200: {  	v3 =	vadd.f32 v59, v3;
	_ =	sdelay $0x1  }
0x201: {  	v54 =	vld [tilespmem:s2+$0xD50];
	[tilespmem:s2+$0x6D40] =	vst v3  }
0x202: {  	v3 =	vld [tilespmem:s13+$0x150];
	_ =	sdelay $0x1  }
0x203: {  	v60 =	vld [tilespmem:s1+$0x150];
	_ =	sdelay $0x2  }
0x204: {  	v7 =	vmul.f32 v54, v6;
	v3 =	vmul.f32 v3, v10;
	_ =	sdelay $0x1  }
0x205: {  	v61 =	vmul.f32 v60, v9;
	v3 =	vadd.f32 v3, v7;
	_ =	sdelay $0x1  }
0x206: {  	v3 =	vadd.f32 v61, v3;
	_ =	sdelay $0x1  }
0x207: {  	v53 =	vld [tilespmem:s2+$0xD60];
	[tilespmem:s2+$0x6D50] =	vst v3  }
0x208: {  	v3 =	vld [tilespmem:s13+$0x160];
	_ =	sdelay $0x1  }
0x209: {  	v62 =	vld [tilespmem:s1+$0x160];
	_ =	sdelay $0x2  }
0x20a: {  	v4 =	vmul.f32 v53, v6;
	v3 =	vmul.f32 v3, v10;
	_ =	sdelay $0x1  }
0x20b: {  	v7 =	vmul.f32 v62, v9;
	v3 =	vadd.f32 v3, v4;
	_ =	sdelay $0x1  }
0x20c: {  	v3 =	vadd.f32 v7, v3;
	_ =	sdelay $0x1  }
0x20d: {  	v52 =	vld [tilespmem:s2+$0xD70];
	[tilespmem:s2+$0x6D60] =	vst v3  }
0x20e: {  	v3 =	vld [tilespmem:s13+$0x170];
	_ =	sdelay $0x1  }
0x20f: {  	v63 =	vld [tilespmem:s1+$0x170];
	_ =	sdelay $0x2  }
0x210: {  	v5 =	vmul.f32 v52, v6;
	v3 =	vmul.f32 v3, v10;
	_ =	sdelay $0x1  }
0x211: {  	v4 =	vmul.f32 v63, v9;
	v3 =	vadd.f32 v3, v5;
	_ =	sdelay $0x1  }
0x212: {  	s0 =	sadd.s32 $0x1, s0;
	v3 =	vadd.f32 v4, v3  }
0x213: {  	s15 =	rddreg [dreg:$0x1];
	p0 =	sne.s32 s0, $0x80;
	s14 =	sshll.u32 s3, $0x6  }
.Ltmp1:
0x214: {  	s31 =	simm.s32 $0x0;
	s1 =	sadd.s32 s15, s14;
	[tilespmem:s2+$0x6D70] =	vst v3;
	(pc) =	sbr.rel @p0 .LBB2_2-.Ltmp1, $4  }
0x215: {  	[hbm4b:s1+s31] =	stream.linear.scatter [tilespmem:s30], [sflag:$0x2], $0x2000, $0x38;
	[tilespmem:$0x8100] =	vst v63  }
0x216: {  	_ =	swait.ge [sflag:s10], $0x2000  }
0x217: {  	[sflag:s10] =	ssyncset.done $0x0  }
0x218: {  	[sflag:s10] =	ssyncadd.s32 $0xFFFFE000  }
0x219: {  	s1 =	rddreg [dreg:$0x4]  }
0x21a: {  	s0 =	rddreg [dreg:$0x3];
	s1 =	sadd.s32 $0x1, s1  }
0x21b: {  	p0 =	sne.s32 s1, s0  }
.Ltmp2:
0x21c: {  	_ = 	snop;
	(pc) =	sbr.rel @p0 .LBB2_1-.Ltmp2, $1  }
0x21d: {  	_ =	sdelay $0x3  }
0x21e: {  	_ =	sfence.sel $0x180000  }
0x21f: {  	[bflag:$0x0] =	sbarrier.arrive $0xFFFF  }
0x220: {  	_ =	strace $0x9000004A  }
0x221: {  	s0 =	stileid.u32;
	[bflag:$0x2] =	sbarrier.arrive $0xFFFF  }
0x222: {  	p0 =	sne.s32 s0, $0x0;
	s0 =	rddreg [dreg:$0x2]  }
0x223: {  	s0 =	sadd.s32 @!p0 $0x100000, s0  }
0x224: {  	[sflag:s0] =	ssyncadd.tile.s32 @!p0 $0x1;
	_ =	shalt  }
.Lfunc_end2:
_tile_overlayer_lowered:
.L_overlay_start_2:
0x225: {  	(tag) =	ssettag $0x2  }
0x226: {  	s0 =	rddreg [dreg:$0x0];
	s2 =	stileid.u32  }
0x227: {  	s1 =	rddreg [dreg:$0x1];
	p0 =	sne.s32 s2, $0x0  }
0x228: {  	s3 =	rddreg [dreg:$0x2];
	[bflag:$0x3] =	sbarrier.arrive $0xFFFF;
	s2 =	simm.s32 @!p0 $0x1C02  }
0x229: {  	[timem:s3], [sflag:s2] =	dma.local @!p0 [hbm:s0], s1  }
0x22a: {  	s0 =	simm.s32 @!p0 $0x2  }
0x22b: {  	_ =	swait.ge @!p0 [sflag:s0], s1  }
0x22c: {  	s1 =	ssub.s32 @!p0 $0x0, s1;
	[sflag:s0] =	ssyncset.done @!p0 $0x0  }
0x22d: {  	[sflag:s0] =	ssyncadd.s32 @!p0 s1  }
0x22e: {  	[bflag:$0x3] =	sbarrier.arrive $0xFFFF  }
0x22f: {  	_ =	shalt  }

// kernel: sparse-core-data-format-call.cloned.1.call-start
scs
called_computation_lowered:
.L_overlay_start_0:
0x0: {  	s2 =	sld [smem:$0x3FD9]  }
0x1: {  	s3 =	sld [smem:$0x3FFE];
	_ =	sdelay $0x1  }
0x2: {  	s1 =	srdreg.scid  }
0x3: {  	s0 =	sand.u32 $0x1, s1  }
0x4: {  	s18 =	sshll.u32 s0, $0xA;
	s2 =	sadd.s32 s3, s2  }
0x5: {  	s2 =	sadd.s32 s2, s18  }
0x6: {  	[smem:$0x3FBF] =	sst s2  }
0x7: {  	_ = 	snop  }
0x8: {  	s2 =	sld [smem:$0x3FC6];
	(tm) =	ssettm $0x1  }
0x9: {  	s19 =	sld [smem:$0x3FFB];
	_ =	sdelay $0x3  }
0xa: {  	_ =	strace s19  }
0xb: {  	s3 =	sld [smem:$0x3FFC];
	_ =	sdelay $0x3  }
0xc: {  	_ =	strace s3  }
0xd: {  	s3 =	sld [smem:$0x3FFD];
	_ =	sdelay $0x3  }
0xe: {  	_ =	strace s3  }
0xf: {  	_ =	strace $0x8FFFFFFF  }
0x10: {  	s20 =	sld [smem:$0x3FDB];
	_ =	sdelay $0x1  }
0x11: {  	s4 =	simm.s32 $_scs_section_size  }
0x12: {  	s5 =	simm.s32 $_size__tile_overlayer_lowered;
	s6 =	simm.s32 $_tile_overlayer_lowered  }
0x13: {  	s23 =	simm.s32 $0x1BFF;
	s22 =	sshll.u32 s6, $0x1;
	s3 =	sadd.s32 s4, s20  }
0x14: {  	s7 =	simm.s32 $0x0;
	s21 =	sshll.u32 s5, $0x1;
	s5 =	sadd.s32 s22, s3  }
0x15: {  	[timem:s7], [sflag:s23] =	dma.local [hbm:s5], s21  }
0x16: {  	_ =	swait.ge [sflag:s23], s21  }
0x17: {  	s4 =	ssub.s32 $0x0, s21;
	[sflag:s23] =	ssyncset.done $0x0  }
0x18: {  	[sflag:s23] =	ssyncadd.s32 s4;
	_ =	sdelay $0x1  }
0x19: {  	s24 =	simm.s32 $0x1B8B  }
0x1a: {  	_ =	swait.ge [sflag:s24], $0x1  }
0x1b: {  	[sflag:s24] =	ssyncset.done $0x0  }
0x1c: {  	s26 =	simm.s32 $0x1B8E;
	s25 =	sld [smem:$0x3FFE];
	[sflag:s24] =	ssyncadd.s32 $0xFFFFFFFF  }
0x1d: {  	s27 =	simm.s32 $execute0_lowered;
	[smem:$0x3FD2] =	sst s26  }
0x1e: {  	s5 =	sshll.u32 s27, $0x1;
	_ =	strace $0x80000046;
	[dreg:$0x1] =	wrdreg $0xFFFFFFFF  }
0x1f: {  	s28 =	simm.s32 $_size_execute0_lowered;
	s3 =	sadd.s32 s3, s5;
	[dreg:$0x0] =	wrdreg $0x0  }
0x20: {  	s5 =	sshll.u32 s28, $0x1;
	[dreg:$0x2] =	wrdreg s3  }
0x21: {  	[dreg:$0x3] =	wrdreg s5  }
0x22: {  	[dreg:$0x4] =	wrdreg $0xC0  }
0x23: {  	_ =	task [dreg:s7], $0x5FFFF  }
0x24: {  	[dreg:$0x1] =	wrdreg $0xFFFFFFFF  }
0x25: {  	[dreg:$0x0] =	wrdreg $0x60  }
0x26: {  	[dreg:$0x2] =	wrdreg s2  }
0x27: {  	[dreg:$0x3] =	wrdreg s25  }
0x28: {  	[dreg:$0x4] =	wrdreg $0x9  }
0x29: {  	_ =	task.clear_ibuf [dreg:s7], $0x5FFFF;
	_ =	strace $0x90000046  }
0x2a: {  	s29 =	simm.s32 $0x9;
	_ =	strace $0x80000048  }
0x2b: {  	_ =	swait.ge [sflag:s29], $0x1  }
0x2c: {  	[sflag:s29] =	ssyncadd.s32 $0xFFFFFFFF  }
0x2d: {  	_ =	strace $0x90000048  }
0x2e: {  	_ =	sfence  }
0x2f: {  	s30 =	sld [smem:$0x0];
	_ =	sdelay $0x2  }
0x30: {  	s31 =	sshll.u32 s1, $0xD;
	s1 =	sshrl.u32 s1, $0x2  }
0x31: {  	s3 =	sand.u32 $0x4000, s31;
	s1 =	sadd.s32 s1, s30  }
0x32: {  	s0 =	sor.u32 s3, s0;
	s1 =	sshll.u32 s1, $0x11  }
0x33: {  	s0 =	sor.u32 s1, s0  }
0x34: {  	s0 =	sadd.s32 $0x8F2B, s0  }
0x35: {  	[sflag:s0] =	ssyncadd.remote.s32 $0x1  }
0x36: {  	_ =	sfence.sel $0xFFFF  }
0x37: {  	[dreg:$0x0] =	wrdreg $0xFFFFFFFF;
	(pc) =	sbr.abs _section_cstart, $3  }
0x38: {  	[dreg:$0x1] =	wrdreg $0xFFFFFFFF  }
0x39: {  	_ =	task.clear_ibuf [dreg:s7], $0x2FFFF;
	_ =	strace $0x9FFFFFFF  }
0x3a: {  	(tm) =	ssettm $0x7FFFFFFF  }
0x3b: {  	_ =	shalt  }
tec
execute0_lowered:
.L_overlay_start_1:
0x0: {  	(tag) =	ssettag $0x1  }
0x1: {  	s1 =	rddreg [dreg:$0x0]  }
0x2: {  	s0 =	srdreg.scid;
	s3 =	rddreg [dreg:$0x1]  }
0x3: {  	s5 =	simm.s32 $0x1;
	s7 =	simm.s32 $0x2;
	s15 =	simm.s32 $0x0  }
0x4: {  	p0 =	por $0x0, $0x0;
	s8 =	simm.s32 $0x1000;
	s0 =	sshll.u32 s0, $0x7  }
0x5: {  	s13 =	simm.s32 $0x0;
	s14 =	simm.s32 $0x0;
	s2 =	sand.u32 $0x80, s0  }
0x6: {  	s9 =	simm.s32 $0x0;
	s11 =	stileid.u32;
	s6 =	ssub.s32 $0x200, s2  }
.Ltmp0:
0x7: {  	s12 =	simm.s32 $0x0;
	s31 =	sshrl.u32 s6, $0x7;
	(pc) =	sbr.rel .LBB1_1-.Ltmp0, $4  }
0x8: {  	s4 =	sadd.s32 $0x1E00, s3;
	s6 =	sshrl.u32 s6, $0x8;
	s3 =	sand.u32 $0x1, s31  }
0x9: {  	s0 =	rddreg [dreg:$0x2];
	_ =	strace $0x80000047;
	s6 =	sadd.s32 s6, s3  }
0xa: {  	[sflag:s5] =	ssyncpa.u1 $0x0;
	s10 =	smov.u32 s2;
	s6 =	sshll.u32 s6, $0x3  }
0xb: {  	[sflag:s7] =	ssyncpa.u1 $0x0;
	s3 =	stileid.u32;
	s7 =	sor.u32 $0x1, s6  }
.LBB1_4:
0xc: {  	v5 =	vld [tilespmem:s18+$0xFFFFFFD0];
	[tilespmem:s19+$0x2040 ss:$0x81] =	vst.msk $0xffff, v1  }
0xd: {  	v58 =	vld [tilespmem:s18+$0xFFFFFFE0];
	[tilespmem:s19+$0x2850 ss:$0x81] =	vst.msk $0xffff, v2  }
0xe: {  	s20 =	sshra.s32 s20, $0x2;
	v59 =	vld [tilespmem:s18+$0xFFFFFFF0];
	[tilespmem:s19+$0x3060 ss:$0x81] =	vst.msk $0xffff, v3  }
0xf: {  	v60 =	vld [tilespmem:s18+$0x0];
	[tilespmem:s19+$0x0 ss:$0x81] =	vst.msk $0xffff, v0;
	s17 =	sadd.s32 s20, s17  }
0x10: {  	v61 =	vld [tilespmem:s18+$0x10];
	s25 =	sshll.u32 s15, $0x9;
	[tilespmem:s17+$0x3870 ss:$0x81] =	vst.msk $0xffff, v4  }
0x11: {  	s26 =	sshll.u32 s13, $0x3;
	v62 =	vld [tilespmem:s18+$0x20];
	s27 =	sshll.u32 s15, $0x7;
	s30 =	sand.u32 $0x78, s13;
	[tilespmem:s17+$0x810 ss:$0x81] =	vst.msk $0xffff, v5  }
0x12: {  	v63 =	vld [tilespmem:s18+$0xFFFFFFC0];
	s14 =	sshll.u32 s14, $0x10;
	s19 =	sand.u32 $0x7F000, s25;
	s20 =	sand.u32 $0x7FC00, s26;
	[tilespmem:s17+$0x1020 ss:$0x81] =	vst.msk $0xffff, v58  }
0x13: {  	s29 =	sand.u32 $0x200, s27;
	s15 =	sand.u32 $0x180, s27;
	s28 =	sadd.s32 s20, s19;
	[tilespmem:s17+$0x1830 ss:$0x81] =	vst.msk $0xffff, v59  }
0x14: {  	s31 =	sand.u32 $0x7, s13;
	s15 =	sor.u32 s30, s15;
	s18 =	sor.u32 s29, s28;
	[tilespmem:s17+$0x2040 ss:$0x81] =	vst.msk $0xffff, v60  }
0x15: {  	s14 =	sadd.s32 s4, s14;
	s15 =	sshrl.u32 s15, $0x3;
	s18 =	sshrl.u32 s18, $0x3;
	[tilespmem:s17+$0x2850 ss:$0x81] =	vst.msk $0xffff, v61  }
0x16: {  	s13 =	sshll.u32 s31, $0x12;
	s14 =	sadd.s32 s15, s14;
	[tilespmem:s17+$0x3060 ss:$0x81] =	vst.msk $0xffff, v62;
	s18 =	sand.u32 $0xFFC0, s18  }
0x17: {  	s13 =	sor.u32 $0x400, s13;
	[tilespmem:s17+$0x0 ss:$0x81] =	vst.msk $0xffff, v63;
	s14 =	sadd.s32 s18, s14  }
0x18: {  	[hbm4b:s14+s13] =	stream.strided.scatter [tilespmem:s16], [sflag:$0x2], $0x4000, s8, s13, $0x20;
	[tilespmem:$0x10100] =	vst v63  }
.LBB1_5:
0x19: {  	s16 =	sadd.s32 $0x80, s9  }
0x1a: {  	s13 =	sadd.s32 $0x100, s10;
	s17 =	smov.u32 s10;
	p2 =	sgt.s32 s16, $0x3FF  }
0x1b: {  	s17 =	smov.u32 @p2 s13  }
0x1c: {  	s19 =	smov.u32 s11;
	s13 =	sadd.s32 $0x10, s11;
	p3 =	sgt.s32 s17, $0x1FF  }
0x1d: {  	s19 =	smov.u32 @p3 s13  }
0x1e: {  	s16 =	simm.s32 @p2 $0x0;
	p2 =	sgt.s32 s19, $0xF  }
0x1f: {  	p1 =	slt.u32 s12, $0x2;
	s19 =	smov.u32 @p2 s3;
	p2 =	sne.s32 s12, s7  }
.Ltmp1:
0x20: {  	s18 =	simm.s32 @!p1 $0x2;
	(pc) =	sbr.rel @!p2 .LBB1_6-.Ltmp1, $4  }
0x21: {  	s15 =	smov.u32 s9;
	s14 =	smov.u32 s11;
	_ =	swait.ge @!p1 [sflag:s18], $0x4000  }
0x22: {  	p0 =	por !p0, !p0;
	[sflag:s18] =	ssyncset.done @!p1 $0x0;
	s9 =	smov.u32 s16  }
0x23: {  	s17 =	smov.u32 @p3 s2;
	s13 =	smov.u32 s10;
	[sflag:s18] =	ssyncadd.s32 @!p1 $0xFFFFC000  }
0x24: {  	s10 =	smov.u32 s17;
	s12 =	sadd.s32 $0x1, s12;
	s11 =	smov.u32 s19  }
.LBB1_1:
0x25: {  	p1 =	sge.u32 s12, s6  }
0x26: {  	s31 =	sadd.s32 $0xFFFFFFFF, s12;
	s16 =	sshll.u32 @!p1 s10, $0x7  }
0x27: {  	s17 =	sxor.u32 @!p1 $0xFFFFFFFF, s12;
	s18 =	sand.u32 @!p1 $0x78, s9;
	s19 =	sand.u32 @!p1 $0x380, s16  }
0x28: {  	s17 =	sshll.u32 @!p1 s17, $0xE;
	s18 =	sor.u32 @!p1 s18, s19;
	s19 =	sshll.u32 @!p1 s11, $0x10  }
0x29: {  	s16 =	sand.u32 @!p1 $0xFC00, s16;
	s18 =	sshrl.u32 @!p1 s18, $0x3;
	s19 =	sadd.s32 @!p1 s1, s19  }
0x2a: {  	s16 =	sadd.s32 @!p1 s9, s16;
	s18 =	sadd.s32 @!p1 s18, s19;
	s19 =	sand.u32 @!p1 $0x7, s9  }
0x2b: {  	s17 =	sand.u32 @!p1 $0x4000, s17;
	s16 =	sand.u32 @!p1 $0xFF80, s16;
	s19 =	sshll.u32 @!p1 s19, $0x12  }
0x2c: {  	s16 =	sadd.s32 @!p1 s16, s18;
	s18 =	sor.u32 @!p1 $0x400, s19;
	s19 =	simm.s32 @!p1 $0x2000  }
0x2d: {  	[tilespmem:s17], [sflag:$0x1] =	stream.strided.gather @!p1 [hbm4b:s16+s18], $0x4000, s19, s18, $0x38;
	[tilespmem:$0x10100] =	vst v63  }
0x2e: {  	p1 =	sge.u32 s31, s6  }
.Ltmp2:
0x2f: {  	_ = 	snop;
	(pc) =	sbr.rel @p1 .LBB1_5-.Ltmp2, $1  }
0x30: {  	_ =	sdelay $0x3  }
0x31: {  	s16 =	simm.s32 $0x1  }
0x32: {  	_ =	swait.ge [sflag:s5], $0x4000;
	s16 =	simm.s32 @!p0 $0x0  }
0x33: {  	[sflag:s5] =	ssyncset.done $0x0;
	s17 =	sshll.u32 s16, $0xE  }
0x34: {  	[sflag:s5] =	ssyncadd.s32 $0xFFFFC000;
	s18 =	sor.u32 $0x40, s17  }
0x35: {  	s16 =	smul.u32 $0x10200, s16;
	v0 =	vld [tilespmem:s18+$0x30]  }
0x36: {  	v3 =	vld [tilespmem:s18+$0xFFFFFFD0]  }
0x37: {  	s16 =	sshrl.u32 s16, $0x2;
	v4 =	vld [tilespmem:s18+$0xFFFFFFE0]  }
0x38: {  	v5 =	vld [tilespmem:s18+$0xFFFFFFF0];
	s17 =	sor.u32 $0x8000, s16  }
0x39: {  	s31 =	sand.u32 $0x1, s12;
	v1 =	vld [tilespmem:s18+$0x0];
	s19 =	sadd.s32 $0x0, s17  }
0x3a: {  	v2 =	vld [tilespmem:s18+$0x10];
	s16 =	smul.u32 $0x10200, s31;
	[tilespmem:s19+$0x3870 ss:$0x81] =	vst.msk $0xffff, v0  }
0x3b: {  	[tilespmem:s19+$0x810 ss:$0x81] =	vst.msk $0xffff, v3;
	v3 =	vld [tilespmem:s18+$0x20]  }
0x3c: {  	s16 =	sshrl.u32 s16, $0x2;
	v0 =	vld [tilespmem:s18+$0xFFFFFFC0];
	[tilespmem:s19+$0x1020 ss:$0x81] =	vst.msk $0xffff, v4;
	s18 =	sadd.s32 $0x80, s18  }
0x3d: {  	s20 =	simm.s32 $0x4;
	s21 =	simm.s32 $0x8;
	s16 =	sor.u32 $0x8000, s16;
	[tilespmem:s19+$0x1830 ss:$0x81] =	vst.msk $0xffff, v5;
	v4 =	vld [tilespmem:s18+$0x30]  }
.LBB1_3:
0x3e: {  	p1 =	sne.s32 s21, $0x1FC;
	v5 =	vld [tilespmem:s18+$0xFFFFFFD0];
	[tilespmem:s19+$0x2040 ss:$0x81] =	vst.msk $0xffff, v1  }
0x3f: {  	v6 =	vld [tilespmem:s18+$0xFFFFFFE0];
	[tilespmem:s19+$0x2850 ss:$0x81] =	vst.msk $0xffff, v2  }
0x40: {  	s22 =	sshra.s32 s20, $0x2;
	s20 =	smov.u32 s21;
	v7 =	vld [tilespmem:s18+$0xFFFFFFF0];
	[tilespmem:s19+$0x3060 ss:$0x81] =	vst.msk $0xffff, v3  }
.Ltmp3:
0x41: {  	v1 =	vld [tilespmem:s18+$0x0];
	[tilespmem:s19+$0x0 ss:$0x81] =	vst.msk $0xffff, v0;
	s19 =	sadd.s32 s22, s17;
	(pc) =	sbr.rel @p1 .LBB1_3-.Ltmp3, $4  }
0x42: {  	v2 =	vld [tilespmem:s18+$0x10];
	[tilespmem:s19+$0x3870 ss:$0x81] =	vst.msk $0xffff, v4  }
0x43: {  	[tilespmem:s19+$0x810 ss:$0x81] =	vst.msk $0xffff, v5;
	v3 =	vld [tilespmem:s18+$0x20]  }
0x44: {  	v0 =	vld [tilespmem:s18+$0xFFFFFFC0];
	[tilespmem:s19+$0x1020 ss:$0x81] =	vst.msk $0xffff, v6;
	s18 =	sadd.s32 $0x80, s18  }
0x45: {  	s21 =	sadd.s32 $0x4, s21;
	v4 =	vld [tilespmem:s18+$0x30];
	[tilespmem:s19+$0x1830 ss:$0x81] =	vst.msk $0xffff, v7  }
.Ltmp4:
0x46: {  	_ = 	snop;
	(pc) =	sbr.rel .LBB1_4-.Ltmp4, $1  }
0x47: {  	_ =	sdelay $0x3  }
.LBB1_6:
0x48: {  	_ =	sfence.sel $0x180000  }
0x49: {  	s1 =	simm.s32 $0x1;
	[bflag:$0x0] =	sbarrier.arrive $0xFFFF  }
0x4a: {  	s31 =	simm.s32 $0x2;
	[sflag:s1] =	ssyncpa.u1 $0x1  }
0x4b: {  	[sflag:s31] =	ssyncpa.u1 $0x1  }
0x4c: {  	p0 =	sne.s32 s3, $0x0;
	_ =	strace $0x90000047  }
0x4d: {  	s0 =	sadd.s32 @!p0 $0x100000, s0;
	[bflag:$0x2] =	sbarrier.arrive $0xFFFF  }
0x4e: {  	[sflag:s0] =	ssyncadd.tile.s32 @!p0 $0x1;
	_ =	shalt  }
.Lfunc_end1:
_tile_overlayer_lowered:
.L_overlay_start_2:
0x4f: {  	(tag) =	ssettag $0x2  }
0x50: {  	s0 =	rddreg [dreg:$0x0];
	s2 =	stileid.u32  }
0x51: {  	s1 =	rddreg [dreg:$0x1];
	p0 =	sne.s32 s2, $0x0  }
0x52: {  	s3 =	rddreg [dreg:$0x2];
	[bflag:$0x3] =	sbarrier.arrive $0xFFFF;
	s2 =	simm.s32 @!p0 $0x1C01  }
0x53: {  	[timem:s3], [sflag:s2] =	dma.local @!p0 [hbm:s0], s1  }
0x54: {  	s0 =	simm.s32 @!p0 $0x1  }
0x55: {  	_ =	swait.ge @!p0 [sflag:s0], s1  }
0x56: {  	s1 =	ssub.s32 @!p0 $0x0, s1;
	[sflag:s0] =	ssyncset.done @!p0 $0x0  }
0x57: {  	[sflag:s0] =	ssyncadd.s32 @!p0 s1  }
0x58: {  	[bflag:$0x3] =	sbarrier.arrive $0xFFFF  }
0x59: {  	_ =	shalt  }

</sc_bundles>
